<compile_context>
chip_gen: v7x
topology: tpu7x:2x2x1
jax: 0.10.2.dev20260603
libtpu: 0.0.44.dev20260713+nightly
codegen_flags: <defaults>
</compile_context>

<pallas_src>
import functools

import jax
import jax.numpy as jnp
import numpy as np
from jax import lax
from jax.experimental import pallas as pl
from jax.experimental.pallas import tpu as pltpu
from jax.experimental.pallas import tpu_sc as plsc

_N_OBS = 1000000
_BS = 16384

_NC = 2
_NS = 16
_NW = _NC * _NS
_ROWS_PER_W = _BS // _NW
_CHUNK = 128
_KL = _ROWS_PER_W // _CHUNK

_STRIPE = 128
_NFULL = (_N_OBS // _STRIPE) * _STRIPE
_NSTR = _NFULL // _STRIPE
_NTAIL = _N_OBS - _NFULL


def _compute_batch_indices() -> np.ndarray:
    key = jax.random.key(42)
    key, _ = jax.random.split(key)
    key, subkey = jax.random.split(key)
    perm = jax.random.choice(
        subkey, jnp.arange(_N_OBS), shape=(_N_OBS,), replace=False
    )
    return np.asarray(perm[:_BS], dtype=np.int32)


def _batch_indices() -> np.ndarray:
    try:
        cpu = jax.local_devices(backend="cpu")[0]
    except RuntimeError:
        return _compute_batch_indices()
    with jax.default_device(cpu):
        return _compute_batch_indices()


_IDX = _batch_indices().astype(np.int64)


def _stripe_positions(ncols: int, ncols_phys: int) -> np.ndarray:
    r = _IDX.reshape(_NW, _KL, 1, _CHUNK)
    c = np.arange(ncols, dtype=np.int64).reshape(1, 1, ncols, 1)
    pos = (r // _STRIPE) * (ncols_phys * _STRIPE) + c * _STRIPE + (r % _STRIPE)
    pos = np.where(r >= _NFULL, 0, pos)
    return pos.astype(np.int32).reshape(_NW, _KL * ncols, _CHUNK)


_PPOS = _stripe_positions(4, 8)
_VPOS = _stripe_positions(8, 8)

_TAIL_SLOTS = np.nonzero(_IDX >= _NFULL)[0]
assert len(_TAIL_SLOTS) <= 16, "masked single-chunk fix-up assumed"
_FIX_W = int(_TAIL_SLOTS[0] // _ROWS_PER_W) if len(_TAIL_SLOTS) else -1
assert all(int(s // _ROWS_PER_W) == _FIX_W for s in _TAIL_SLOTS)


def _fix_vectors(ncols: int) -> tuple[np.ndarray, np.ndarray, np.ndarray, int]:
    src = np.zeros(16, np.int32)
    dst0 = np.zeros(16, np.int32)
    dst1 = np.zeros(16, np.int32)
    n = 0
    for s in _TAIL_SLOTS:
        t = int(_IDX[s] - _NFULL)
        lr = int(s % _ROWS_PER_W)
        kl, j = lr // _CHUNK, lr % _CHUNK
        for c in range(ncols):
            src[n] = t * ncols + c
            d = kl * (ncols * _CHUNK) + c * _CHUNK + j
            dst0[n], dst1[n] = d // _CHUNK, d % _CHUNK
            n += 1
    return src, dst0, dst1, n


_PSRC, _PDST0, _PDST1, _PN = _fix_vectors(4)
_VSRC, _VDST0, _VDST1, _VN = _fix_vectors(8)
_FIX = np.concatenate([_PSRC, _PDST0, _PDST1, _VSRC, _VDST0, _VDST1])


def _gather_body(pinn_hbm, vals_hbm, tailp_hbm, tailv_hbm,
                 ppos_hbm, vpos_hbm, fix_hbm,
                 out_pinn, out_vals,
                 ppos_v, vpos_v, opinn_v, ovals_v,
                 tailp_v, tailv_v, fix_v, sem):
    wid = lax.axis_index("s") * _NC + lax.axis_index("c")
    pltpu.sync_copy(ppos_hbm.at[wid], ppos_v)
    pltpu.sync_copy(vpos_hbm.at[wid], vpos_v)
    copies = []
    for k in range(_KL * 4):
        copies.append(pltpu.async_copy(
            pinn_hbm.at[ppos_v.at[k]], opinn_v.at[k], sem))
    for k in range(_KL * 8):
        copies.append(pltpu.async_copy(
            vals_hbm.at[vpos_v.at[k]], ovals_v.at[k], sem))
    for cp in copies:
        cp.wait()
    if _FIX_W >= 0:
        @pl.when(wid == _FIX_W)
        def _fixup():
            pltpu.sync_copy(tailp_hbm, tailp_v)
            pltpu.sync_copy(tailv_hbm, tailv_v)
            pltpu.sync_copy(fix_hbm, fix_v)
            lane = lax.iota(jnp.int32, 16)
            plsc.store_scatter(
                opinn_v,
                [fix_v[pl.ds(16, 16)], fix_v[pl.ds(32, 16)]],
                plsc.load_gather(tailp_v, [fix_v[pl.ds(0, 16)]]),
                mask=lane < _PN)
            plsc.store_scatter(
                ovals_v,
                [fix_v[pl.ds(64, 16)], fix_v[pl.ds(80, 16)]],
                plsc.load_gather(tailv_v, [fix_v[pl.ds(48, 16)]]),
                mask=lane < _VN)
    pltpu.sync_copy(opinn_v, out_pinn.at[pl.ds(wid * _KL * 4, _KL * 4)])
    pltpu.sync_copy(ovals_v, out_vals.at[pl.ds(wid * _KL * 8, _KL * 8)])


@functools.cache
def _sc_gather():
    mesh = plsc.VectorSubcoreMesh(core_axis_name="c", subcore_axis_name="s")
    return pl.kernel(
        _gather_body,
        mesh=mesh,
        out_type=(
            jax.ShapeDtypeStruct((_BS * 4 // _CHUNK, _CHUNK), jnp.float32),
            jax.ShapeDtypeStruct((_BS * 8 // _CHUNK, _CHUNK), jnp.float32),
        ),
        name="minibatch_gather",
        scratch_types=[
            pltpu.VMEM((_KL * 4, _CHUNK), jnp.int32),
            pltpu.VMEM((_KL * 8, _CHUNK), jnp.int32),
            pltpu.VMEM((_KL * 4, _CHUNK), jnp.float32),
            pltpu.VMEM((_KL * 8, _CHUNK), jnp.float32),
            pltpu.VMEM((_NTAIL * 4,), jnp.float32),
            pltpu.VMEM((_NTAIL * 8,), jnp.float32),
            pltpu.VMEM((96,), jnp.int32),
            pltpu.SemaphoreType.DMA,
        ],
        compiler_params=pltpu.CompilerParams(
            use_tc_tiling_on_sc=False, needs_layout_passes=False,
            disable_bounds_checks=True),
    )


def kernel(observed_pinn_in, observed_values):
    pinn8 = jnp.pad(observed_pinn_in[:_NFULL], ((0, 0), (0, 4)))
    pinn_s = pinn8.reshape(
        _NSTR, _STRIPE, 8).transpose(0, 2, 1).reshape(-1)
    vals_s = observed_values[:_NFULL].reshape(
        _NSTR, _STRIPE, 8).transpose(0, 2, 1).reshape(-1)
    tailp = observed_pinn_in[_NFULL:].reshape(-1)
    tailv = observed_values[_NFULL:].reshape(-1)
    out_p, out_v = _sc_gather()(
        pinn_s, vals_s, tailp, tailv,
        jnp.asarray(_PPOS), jnp.asarray(_VPOS), jnp.asarray(_FIX))
    pinn_b = out_p.reshape(_BS // _STRIPE, 4, _STRIPE).transpose(
        0, 2, 1).reshape(_BS, 4)
    vals_b = out_v.reshape(_BS // _STRIPE, 8, _STRIPE).transpose(
        0, 2, 1).reshape(_BS, 8)
    return (pinn_b, vals_b)

# --- scband reference (transcript-rebuilt; emitter-appended) ---
"""Pipeline reference for scband-data-generator-observations-12266426597540 (READ-ONLY COPY).

The authoritative reference and input builder live on the scoring server;
editing this copy changes nothing except your own understanding.
"""

import jax, jax.numpy as jnp
import numpy as np

N_OBS = 1000000
OBS_BATCH_SIZE = 16384


def _increment_batch_idx(operands):
    key, indices, curr_idx, batch_size, _ = operands
    curr_idx = curr_idx + batch_size
    return (key, indices, curr_idx)


def _reset_batch_idx_and_permute(operands):
    key, indices, curr_idx, _, p = operands
    curr_idx = jnp.asarray(0, dtype=jnp.int32)
    key, subkey = jax.random.split(key)
    indices = jax.random.choice(subkey, indices, shape=(indices.shape[0],), replace=False, p=p)
    return (key, indices, curr_idx)


def _reset_or_increment(bend, n_eff, operands):
    return jax.lax.cond(bend > n_eff, _reset_batch_idx_and_permute, _increment_batch_idx, operands)


def setup_inputs(seed: int = 0) -> dict:
    key = jax.random.key(seed)
    k1, k2 = jax.random.split(key)
    observed_pinn_in = jax.random.normal(k1, (N_OBS, 4), dtype=jnp.float32)
    observed_values = jax.random.normal(k2, (N_OBS, 8), dtype=jnp.float32)
    return {"observed_pinn_in": observed_pinn_in, "observed_values": observed_values}


def reference(observed_pinn_in, observed_values):
    # Faithful translation of DataGeneratorObservations.__post_init__ + obs_batch()
    n = observed_pinn_in.shape[0]
    bs = OBS_BATCH_SIZE
    # __post_init__: module key is split once; curr_idx initialized to huge value
    key = jax.random.key(42)
    key, _ = jax.random.split(key)
    indices = jnp.arange(n)
    curr_idx = jnp.asarray(jnp.iinfo(jnp.int32).max - bs - 1, dtype=jnp.int32)
    # obs_batch(): first call forces the reset branch (permutation), curr_idx -> 0
    operands = (key, indices, curr_idx, bs, None)
    bend = curr_idx + bs
    key, indices, curr_idx = _reset_or_increment(bend, n, operands)
    # take the batch of indices then gather observations
    minibatch_idx = jax.lax.dynamic_slice(indices, (curr_idx,), (bs,))
    pinn_in_batch = jnp.take(observed_pinn_in, minibatch_idx, axis=0)
    values_batch = jnp.take(observed_values, minibatch_idx, axis=0)
    return (pinn_in_batch, values_batch)

if __name__ == "__main__":
    import jax
    _d = setup_inputs()
    print(jax.jit(kernel)(*tuple(_d.values())))

</pallas_src>

<mosaic_0001>
#map = affine_map<(d0, d1) -> (0)>
#map1 = affine_map<(d0, d1) -> (0, 0, 0)>
#map2 = affine_map<(d0, d1) -> (0, 0)>
module attributes {stable_mosaic.version = 14 : i64} {
  func.func @minibatch_gather(%arg0: i32, %arg1: i32, %arg2: memref<7999488xf32, #tpu.memory_space<hbm>>, %arg3: memref<7999488xf32, #tpu.memory_space<hbm>>, %arg4: memref<256xf32, #tpu.memory_space<hbm>>, %arg5: memref<512xf32, #tpu.memory_space<hbm>>, %arg6: memref<32x16x128xi32, #tpu.memory_space<hbm>>, %arg7: memref<32x32x128xi32, #tpu.memory_space<hbm>>, %arg8: memref<96xi32, #tpu.memory_space<hbm>>, %arg9: memref<512x128xf32, #tpu.memory_space<hbm>>, %arg10: memref<1024x128xf32, #tpu.memory_space<hbm>>, %arg11: memref<16x128xi32, #tpu.memory_space<vmem>>, %arg12: memref<32x128xi32, #tpu.memory_space<vmem>>, %arg13: memref<16x128xf32, #tpu.memory_space<vmem>>, %arg14: memref<32x128xf32, #tpu.memory_space<vmem>>, %arg15: memref<256xf32, #tpu.memory_space<vmem>>, %arg16: memref<512xf32, #tpu.memory_space<vmem>>, %arg17: memref<96xi32, #tpu.memory_space<vmem>>, %arg18: memref<!tpu.dma_semaphore, #tpu.memory_space<semaphore_mem>>) attributes {dimension_semantics = [#tpu.dimension_semantics<core_parallel>, #tpu.dimension_semantics<subcore_parallel>], iteration_bounds = array<i64: 2, 16>, scalar_prefetch = 0 : i64, scratch_operands = 8 : i64, tpu.core_type = #tpu.core_type<sc_vector_subcore>, window_params = [{transform_indices = #map}, {transform_indices = #map}, {transform_indices = #map}, {transform_indices = #map}, {transform_indices = #map1}, {transform_indices = #map1}, {transform_indices = #map}, {transform_indices = #map2}, {transform_indices = #map2}]} {
    %mul3A = arith.constant 2 : i32
    %mul3A_0 = arith.muli %arg1, %mul3A : i32
    %add3A = arith.addi %mul3A_0, %arg0 : i32
    "tpu.region"() ({
      %run_scoped3A = tpu.sem_alloc : memref<!tpu.dma_semaphore, #tpu.memory_space<semaphore_mem>>
      %dma_start3A_969 = arith.constant 0 : i32
      %dma_start3A_970 = arith.constant 0 : i32
      %dma_start3A_971 = tpu.memref_slice %arg6[%add3A, %dma_start3A_969, %dma_start3A_970] : memref<32x16x128xi32, #tpu.memory_space<hbm>> -> memref<1x16x128xi32, #tpu.memory_space<hbm>>
      %dma_start3A_972 = tpu.memref_squeeze %dma_start3A_971 : memref<1x16x128xi32, #tpu.memory_space<hbm>> -> memref<16x128xi32, #tpu.memory_space<hbm>>
      %dma_start3A_973 = arith.constant 0 : i32
      %dma_start3A_974 = arith.constant 0 : i32
      %dma_start3A_975 = tpu.memref_slice %arg6[%add3A, %dma_start3A_973, %dma_start3A_974] : memref<32x16x128xi32, #tpu.memory_space<hbm>> -> memref<1x16x128xi32, #tpu.memory_space<hbm>>
      %dma_start3A_976 = tpu.memref_squeeze %dma_start3A_975 : memref<1x16x128xi32, #tpu.memory_space<hbm>> -> memref<16x128xi32, #tpu.memory_space<hbm>>
      tpu.enqueue_dma source(%dma_start3A_976 : memref<16x128xi32, #tpu.memory_space<hbm>>) target(%arg11 : memref<16x128xi32, #tpu.memory_space<vmem>>) target_semaphore(%run_scoped3A : memref<!tpu.dma_semaphore, #tpu.memory_space<semaphore_mem>>)
      %dma_wait3A_977 = arith.constant 0 : i32
      %dma_wait3A_978 = arith.constant 0 : i32
      %dma_wait3A_979 = tpu.memref_slice %arg6[%add3A, %dma_wait3A_977, %dma_wait3A_978] : memref<32x16x128xi32, #tpu.memory_space<hbm>> -> memref<1x16x128xi32, #tpu.memory_space<hbm>>
      %dma_wait3A_980 = tpu.memref_squeeze %dma_wait3A_979 : memref<1x16x128xi32, #tpu.memory_space<hbm>> -> memref<16x128xi32, #tpu.memory_space<hbm>>
      %dma_wait3A_981 = arith.constant 0 : i32
      %dma_wait3A_982 = arith.constant 0 : i32
      %dma_wait3A_983 = tpu.memref_slice %arg6[%add3A, %dma_wait3A_981, %dma_wait3A_982] : memref<32x16x128xi32, #tpu.memory_space<hbm>> -> memref<1x16x128xi32, #tpu.memory_space<hbm>>
      %dma_wait3A_984 = tpu.memref_squeeze %dma_wait3A_983 : memref<1x16x128xi32, #tpu.memory_space<hbm>> -> memref<16x128xi32, #tpu.memory_space<hbm>>
      tpu.wait_dma2 semaphore(%run_scoped3A : memref<!tpu.dma_semaphore, #tpu.memory_space<semaphore_mem>>) src(%dma_wait3A_984 : memref<16x128xi32, #tpu.memory_space<hbm>>) dst(%arg11 : memref<16x128xi32, #tpu.memory_space<vmem>>)
      tpu.yield
    }) : () -> ()
    "tpu.region"() ({
      %run_scoped3A = tpu.sem_alloc : memref<!tpu.dma_semaphore, #tpu.memory_space<semaphore_mem>>
      %dma_start3A_969 = arith.constant 0 : i32
      %dma_start3A_970 = arith.constant 0 : i32
      %dma_start3A_971 = tpu.memref_slice %arg7[%add3A, %dma_start3A_969, %dma_start3A_970] : memref<32x32x128xi32, #tpu.memory_space<hbm>> -> memref<1x32x128xi32, #tpu.memory_space<hbm>>
      %dma_start3A_972 = tpu.memref_squeeze %dma_start3A_971 : memref<1x32x128xi32, #tpu.memory_space<hbm>> -> memref<32x128xi32, #tpu.memory_space<hbm>>
      %dma_start3A_973 = arith.constant 0 : i32
      %dma_start3A_974 = arith.constant 0 : i32
      %dma_start3A_975 = tpu.memref_slice %arg7[%add3A, %dma_start3A_973, %dma_start3A_974] : memref<32x32x128xi32, #tpu.memory_space<hbm>> -> memref<1x32x128xi32, #tpu.memory_space<hbm>>
      %dma_start3A_976 = tpu.memref_squeeze %dma_start3A_975 : memref<1x32x128xi32, #tpu.memory_space<hbm>> -> memref<32x128xi32, #tpu.memory_space<hbm>>
      tpu.enqueue_dma source(%dma_start3A_976 : memref<32x128xi32, #tpu.memory_space<hbm>>) target(%arg12 : memref<32x128xi32, #tpu.memory_space<vmem>>) target_semaphore(%run_scoped3A : memref<!tpu.dma_semaphore, #tpu.memory_space<semaphore_mem>>)
      %dma_wait3A_977 = arith.constant 0 : i32
      %dma_wait3A_978 = arith.constant 0 : i32
      %dma_wait3A_979 = tpu.memref_slice %arg7[%add3A, %dma_wait3A_977, %dma_wait3A_978] : memref<32x32x128xi32, #tpu.memory_space<hbm>> -> memref<1x32x128xi32, #tpu.memory_space<hbm>>
      %dma_wait3A_980 = tpu.memref_squeeze %dma_wait3A_979 : memref<1x32x128xi32, #tpu.memory_space<hbm>> -> memref<32x128xi32, #tpu.memory_space<hbm>>
      %dma_wait3A_981 = arith.constant 0 : i32
      %dma_wait3A_982 = arith.constant 0 : i32
      %dma_wait3A_983 = tpu.memref_slice %arg7[%add3A, %dma_wait3A_981, %dma_wait3A_982] : memref<32x32x128xi32, #tpu.memory_space<hbm>> -> memref<1x32x128xi32, #tpu.memory_space<hbm>>
      %dma_wait3A_984 = tpu.memref_squeeze %dma_wait3A_983 : memref<1x32x128xi32, #tpu.memory_space<hbm>> -> memref<32x128xi32, #tpu.memory_space<hbm>>
      tpu.wait_dma2 semaphore(%run_scoped3A : memref<!tpu.dma_semaphore, #tpu.memory_space<semaphore_mem>>) src(%dma_wait3A_984 : memref<32x128xi32, #tpu.memory_space<hbm>>) dst(%arg12 : memref<32x128xi32, #tpu.memory_space<vmem>>)
      tpu.yield
    }) : () -> ()
    %dma_start3A = arith.constant 0 : i32
    %dma_start3A_1 = arith.constant 0 : i32
    %dma_start3A_2 = arith.constant 0 : i32
    %dma_start3A_3 = tpu.memref_slice %arg13[%dma_start3A_1, %dma_start3A_2] : memref<16x128xf32, #tpu.memory_space<vmem>> -> memref<1x128xf32, #tpu.memory_space<vmem>>
    %dma_start3A_4 = tpu.memref_squeeze %dma_start3A_3 : memref<1x128xf32, #tpu.memory_space<vmem>> -> memref<128xf32, #tpu.memory_space<vmem>>
    %dma_start3A_5 = arith.constant 0 : i32
    %dma_start3A_6 = tpu.memref_slice %arg11[%dma_start3A, %dma_start3A_5] : memref<16x128xi32, #tpu.memory_space<vmem>> -> memref<1x128xi32, #tpu.memory_space<vmem>>
    %dma_start3A_7 = tpu.memref_squeeze %dma_start3A_6 : memref<1x128xi32, #tpu.memory_space<vmem>> -> memref<128xi32, #tpu.memory_space<vmem>>
    %dma_start3A_8 = arith.constant 0 : i32
    %dma_start3A_9 = tpu.memref_slice %arg2[%dma_start3A_8] : memref<7999488xf32, #tpu.memory_space<hbm>> -> memref<7999488xf32, #tpu.memory_space<hbm>>
    tpu.enqueue_indirect_dma source(%dma_start3A_9 : memref<7999488xf32, #tpu.memory_space<hbm>>) target(%dma_start3A_4 : memref<128xf32, #tpu.memory_space<vmem>>) offsets(%dma_start3A_7 : memref<128xi32, #tpu.memory_space<vmem>>) semaphore(%arg18 : memref<!tpu.dma_semaphore, #tpu.memory_space<semaphore_mem>>)
    %dma_start3A_10 = arith.constant 1 : i32
    %dma_start3A_11 = arith.constant 1 : i32
    %dma_start3A_12 = arith.constant 0 : i32
    %dma_start3A_13 = tpu.memref_slice %arg13[%dma_start3A_11, %dma_start3A_12] : memref<16x128xf32, #tpu.memory_space<vmem>> -> memref<1x128xf32, #tpu.memory_space<vmem>>
    %dma_start3A_14 = tpu.memref_squeeze %dma_start3A_13 : memref<1x128xf32, #tpu.memory_space<vmem>> -> memref<128xf32, #tpu.memory_space<vmem>>
    %dma_start3A_15 = arith.constant 0 : i32
    %dma_start3A_16 = tpu.memref_slice %arg11[%dma_start3A_10, %dma_start3A_15] : memref<16x128xi32, #tpu.memory_space<vmem>> -> memref<1x128xi32, #tpu.memory_space<vmem>>
    %dma_start3A_17 = tpu.memref_squeeze %dma_start3A_16 : memref<1x128xi32, #tpu.memory_space<vmem>> -> memref<128xi32, #tpu.memory_space<vmem>>
    %dma_start3A_18 = arith.constant 0 : i32
    %dma_start3A_19 = tpu.memref_slice %arg2[%dma_start3A_18] : memref<7999488xf32, #tpu.memory_space<hbm>> -> memref<7999488xf32, #tpu.memory_space<hbm>>
    tpu.enqueue_indirect_dma source(%dma_start3A_19 : memref<7999488xf32, #tpu.memory_space<hbm>>) target(%dma_start3A_14 : memref<128xf32, #tpu.memory_space<vmem>>) offsets(%dma_start3A_17 : memref<128xi32, #tpu.memory_space<vmem>>) semaphore(%arg18 : memref<!tpu.dma_semaphore, #tpu.memory_space<semaphore_mem>>)
    %dma_start3A_20 = arith.constant 2 : i32
    %dma_start3A_21 = arith.constant 2 : i32
    %dma_start3A_22 = arith.constant 0 : i32
    %dma_start3A_23 = tpu.memref_slice %arg13[%dma_start3A_21, %dma_start3A_22] : memref<16x128xf32, #tpu.memory_space<vmem>> -> memref<1x128xf32, #tpu.memory_space<vmem>>
    %dma_start3A_24 = tpu.memref_squeeze %dma_start3A_23 : memref<1x128xf32, #tpu.memory_space<vmem>> -> memref<128xf32, #tpu.memory_space<vmem>>
    %dma_start3A_25 = arith.constant 0 : i32
    %dma_start3A_26 = tpu.memref_slice %arg11[%dma_start3A_20, %dma_start3A_25] : memref<16x128xi32, #tpu.memory_space<vmem>> -> memref<1x128xi32, #tpu.memory_space<vmem>>
    %dma_start3A_27 = tpu.memref_squeeze %dma_start3A_26 : memref<1x128xi32, #tpu.memory_space<vmem>> -> memref<128xi32, #tpu.memory_space<vmem>>
    %dma_start3A_28 = arith.constant 0 : i32
    %dma_start3A_29 = tpu.memref_slice %arg2[%dma_start3A_28] : memref<7999488xf32, #tpu.memory_space<hbm>> -> memref<7999488xf32, #tpu.memory_space<hbm>>
    tpu.enqueue_indirect_dma source(%dma_start3A_29 : memref<7999488xf32, #tpu.memory_space<hbm>>) target(%dma_start3A_24 : memref<128xf32, #tpu.memory_space<vmem>>) offsets(%dma_start3A_27 : memref<128xi32, #tpu.memory_space<vmem>>) semaphore(%arg18 : memref<!tpu.dma_semaphore, #tpu.memory_space<semaphore_mem>>)
    %dma_start3A_30 = arith.constant 3 : i32
    %dma_start3A_31 = arith.constant 3 : i32
    %dma_start3A_32 = arith.constant 0 : i32
    %dma_start3A_33 = tpu.memref_slice %arg13[%dma_start3A_31, %dma_start3A_32] : memref<16x128xf32, #tpu.memory_space<vmem>> -> memref<1x128xf32, #tpu.memory_space<vmem>>
    %dma_start3A_34 = tpu.memref_squeeze %dma_start3A_33 : memref<1x128xf32, #tpu.memory_space<vmem>> -> memref<128xf32, #tpu.memory_space<vmem>>
    %dma_start3A_35 = arith.constant 0 : i32
    %dma_start3A_36 = tpu.memref_slice %arg11[%dma_start3A_30, %dma_start3A_35] : memref<16x128xi32, #tpu.memory_space<vmem>> -> memref<1x128xi32, #tpu.memory_space<vmem>>
    %dma_start3A_37 = tpu.memref_squeeze %dma_start3A_36 : memref<1x128xi32, #tpu.memory_space<vmem>> -> memref<128xi32, #tpu.memory_space<vmem>>
    %dma_start3A_38 = arith.constant 0 : i32
    %dma_start3A_39 = tpu.memref_slice %arg2[%dma_start3A_38] : memref<7999488xf32, #tpu.memory_space<hbm>> -> memref<7999488xf32, #tpu.memory_space<hbm>>
    tpu.enqueue_indirect_dma source(%dma_start3A_39 : memref<7999488xf32, #tpu.memory_space<hbm>>) target(%dma_start3A_34 : memref<128xf32, #tpu.memory_space<vmem>>) offsets(%dma_start3A_37 : memref<128xi32, #tpu.memory_space<vmem>>) semaphore(%arg18 : memref<!tpu.dma_semaphore, #tpu.memory_space<semaphore_mem>>)
    %dma_start3A_40 = arith.constant 4 : i32
    %dma_start3A_41 = arith.constant 4 : i32
    %dma_start3A_42 = arith.constant 0 : i32
    %dma_start3A_43 = tpu.memref_slice %arg13[%dma_start3A_41, %dma_start3A_42] : memref<16x128xf32, #tpu.memory_space<vmem>> -> memref<1x128xf32, #tpu.memory_space<vmem>>
    %dma_start3A_44 = tpu.memref_squeeze %dma_start3A_43 : memref<1x128xf32, #tpu.memory_space<vmem>> -> memref<128xf32, #tpu.memory_space<vmem>>
    %dma_start3A_45 = arith.constant 0 : i32
    %dma_start3A_46 = tpu.memref_slice %arg11[%dma_start3A_40, %dma_start3A_45] : memref<16x128xi32, #tpu.memory_space<vmem>> -> memref<1x128xi32, #tpu.memory_space<vmem>>
    %dma_start3A_47 = tpu.memref_squeeze %dma_start3A_46 : memref<1x128xi32, #tpu.memory_space<vmem>> -> memref<128xi32, #tpu.memory_space<vmem>>
    %dma_start3A_48 = arith.constant 0 : i32
    %dma_start3A_49 = tpu.memref_slice %arg2[%dma_start3A_48] : memref<7999488xf32, #tpu.memory_space<hbm>> -> memref<7999488xf32, #tpu.memory_space<hbm>>
    tpu.enqueue_indirect_dma source(%dma_start3A_49 : memref<7999488xf32, #tpu.memory_space<hbm>>) target(%dma_start3A_44 : memref<128xf32, #tpu.memory_space<vmem>>) offsets(%dma_start3A_47 : memref<128xi32, #tpu.memory_space<vmem>>) semaphore(%arg18 : memref<!tpu.dma_semaphore, #tpu.memory_space<semaphore_mem>>)
    %dma_start3A_50 = arith.constant 5 : i32
    %dma_start3A_51 = arith.constant 5 : i32
    %dma_start3A_52 = arith.constant 0 : i32
    %dma_start3A_53 = tpu.memref_slice %arg13[%dma_start3A_51, %dma_start3A_52] : memref<16x128xf32, #tpu.memory_space<vmem>> -> memref<1x128xf32, #tpu.memory_space<vmem>>
    %dma_start3A_54 = tpu.memref_squeeze %dma_start3A_53 : memref<1x128xf32, #tpu.memory_space<vmem>> -> memref<128xf32, #tpu.memory_space<vmem>>
    %dma_start3A_55 = arith.constant 0 : i32
    %dma_start3A_56 = tpu.memref_slice %arg11[%dma_start3A_50, %dma_start3A_55] : memref<16x128xi32, #tpu.memory_space<vmem>> -> memref<1x128xi32, #tpu.memory_space<vmem>>
    %dma_start3A_57 = tpu.memref_squeeze %dma_start3A_56 : memref<1x128xi32, #tpu.memory_space<vmem>> -> memref<128xi32, #tpu.memory_space<vmem>>
    %dma_start3A_58 = arith.constant 0 : i32
    %dma_start3A_59 = tpu.memref_slice %arg2[%dma_start3A_58] : memref<7999488xf32, #tpu.memory_space<hbm>> -> memref<7999488xf32, #tpu.memory_space<hbm>>
    tpu.enqueue_indirect_dma source(%dma_start3A_59 : memref<7999488xf32, #tpu.memory_space<hbm>>) target(%dma_start3A_54 : memref<128xf32, #tpu.memory_space<vmem>>) offsets(%dma_start3A_57 : memref<128xi32, #tpu.memory_space<vmem>>) semaphore(%arg18 : memref<!tpu.dma_semaphore, #tpu.memory_space<semaphore_mem>>)
    %dma_start3A_60 = arith.constant 6 : i32
    %dma_start3A_61 = arith.constant 6 : i32
    %dma_start3A_62 = arith.constant 0 : i32
    %dma_start3A_63 = tpu.memref_slice %arg13[%dma_start3A_61, %dma_start3A_62] : memref<16x128xf32, #tpu.memory_space<vmem>> -> memref<1x128xf32, #tpu.memory_space<vmem>>
    %dma_start3A_64 = tpu.memref_squeeze %dma_start3A_63 : memref<1x128xf32, #tpu.memory_space<vmem>> -> memref<128xf32, #tpu.memory_space<vmem>>
    %dma_start3A_65 = arith.constant 0 : i32
    %dma_start3A_66 = tpu.memref_slice %arg11[%dma_start3A_60, %dma_start3A_65] : memref<16x128xi32, #tpu.memory_space<vmem>> -> memref<1x128xi32, #tpu.memory_space<vmem>>
    %dma_start3A_67 = tpu.memref_squeeze %dma_start3A_66 : memref<1x128xi32, #tpu.memory_space<vmem>> -> memref<128xi32, #tpu.memory_space<vmem>>
    %dma_start3A_68 = arith.constant 0 : i32
    %dma_start3A_69 = tpu.memref_slice %arg2[%dma_start3A_68] : memref<7999488xf32, #tpu.memory_space<hbm>> -> memref<7999488xf32, #tpu.memory_space<hbm>>
    tpu.enqueue_indirect_dma source(%dma_start3A_69 : memref<7999488xf32, #tpu.memory_space<hbm>>) target(%dma_start3A_64 : memref<128xf32, #tpu.memory_space<vmem>>) offsets(%dma_start3A_67 : memref<128xi32, #tpu.memory_space<vmem>>) semaphore(%arg18 : memref<!tpu.dma_semaphore, #tpu.memory_space<semaphore_mem>>)
    %dma_start3A_70 = arith.constant 7 : i32
    %dma_start3A_71 = arith.constant 7 : i32
    %dma_start3A_72 = arith.constant 0 : i32
    %dma_start3A_73 = tpu.memref_slice %arg13[%dma_start3A_71, %dma_start3A_72] : memref<16x128xf32, #tpu.memory_space<vmem>> -> memref<1x128xf32, #tpu.memory_space<vmem>>
    %dma_start3A_74 = tpu.memref_squeeze %dma_start3A_73 : memref<1x128xf32, #tpu.memory_space<vmem>> -> memref<128xf32, #tpu.memory_space<vmem>>
    %dma_start3A_75 = arith.constant 0 : i32
    %dma_start3A_76 = tpu.memref_slice %arg11[%dma_start3A_70, %dma_start3A_75] : memref<16x128xi32, #tpu.memory_space<vmem>> -> memref<1x128xi32, #tpu.memory_space<vmem>>
    %dma_start3A_77 = tpu.memref_squeeze %dma_start3A_76 : memref<1x128xi32, #tpu.memory_space<vmem>> -> memref<128xi32, #tpu.memory_space<vmem>>
    %dma_start3A_78 = arith.constant 0 : i32
    %dma_start3A_79 = tpu.memref_slice %arg2[%dma_start3A_78] : memref<7999488xf32, #tpu.memory_space<hbm>> -> memref<7999488xf32, #tpu.memory_space<hbm>>
    tpu.enqueue_indirect_dma source(%dma_start3A_79 : memref<7999488xf32, #tpu.memory_space<hbm>>) target(%dma_start3A_74 : memref<128xf32, #tpu.memory_space<vmem>>) offsets(%dma_start3A_77 : memref<128xi32, #tpu.memory_space<vmem>>) semaphore(%arg18 : memref<!tpu.dma_semaphore, #tpu.memory_space<semaphore_mem>>)
    %dma_start3A_80 = arith.constant 8 : i32
    %dma_start3A_81 = arith.constant 8 : i32
    %dma_start3A_82 = arith.constant 0 : i32
    %dma_start3A_83 = tpu.memref_slice %arg13[%dma_start3A_81, %dma_start3A_82] : memref<16x128xf32, #tpu.memory_space<vmem>> -> memref<1x128xf32, #tpu.memory_space<vmem>>
    %dma_start3A_84 = tpu.memref_squeeze %dma_start3A_83 : memref<1x128xf32, #tpu.memory_space<vmem>> -> memref<128xf32, #tpu.memory_space<vmem>>
    %dma_start3A_85 = arith.constant 0 : i32
    %dma_start3A_86 = tpu.memref_slice %arg11[%dma_start3A_80, %dma_start3A_85] : memref<16x128xi32, #tpu.memory_space<vmem>> -> memref<1x128xi32, #tpu.memory_space<vmem>>
    %dma_start3A_87 = tpu.memref_squeeze %dma_start3A_86 : memref<1x128xi32, #tpu.memory_space<vmem>> -> memref<128xi32, #tpu.memory_space<vmem>>
    %dma_start3A_88 = arith.constant 0 : i32
    %dma_start3A_89 = tpu.memref_slice %arg2[%dma_start3A_88] : memref<7999488xf32, #tpu.memory_space<hbm>> -> memref<7999488xf32, #tpu.memory_space<hbm>>
    tpu.enqueue_indirect_dma source(%dma_start3A_89 : memref<7999488xf32, #tpu.memory_space<hbm>>) target(%dma_start3A_84 : memref<128xf32, #tpu.memory_space<vmem>>) offsets(%dma_start3A_87 : memref<128xi32, #tpu.memory_space<vmem>>) semaphore(%arg18 : memref<!tpu.dma_semaphore, #tpu.memory_space<semaphore_mem>>)
    %dma_start3A_90 = arith.constant 9 : i32
    %dma_start3A_91 = arith.constant 9 : i32
    %dma_start3A_92 = arith.constant 0 : i32
    %dma_start3A_93 = tpu.memref_slice %arg13[%dma_start3A_91, %dma_start3A_92] : memref<16x128xf32, #tpu.memory_space<vmem>> -> memref<1x128xf32, #tpu.memory_space<vmem>>
    %dma_start3A_94 = tpu.memref_squeeze %dma_start3A_93 : memref<1x128xf32, #tpu.memory_space<vmem>> -> memref<128xf32, #tpu.memory_space<vmem>>
    %dma_start3A_95 = arith.constant 0 : i32
    %dma_start3A_96 = tpu.memref_slice %arg11[%dma_start3A_90, %dma_start3A_95] : memref<16x128xi32, #tpu.memory_space<vmem>> -> memref<1x128xi32, #tpu.memory_space<vmem>>
    %dma_start3A_97 = tpu.memref_squeeze %dma_start3A_96 : memref<1x128xi32, #tpu.memory_space<vmem>> -> memref<128xi32, #tpu.memory_space<vmem>>
    %dma_start3A_98 = arith.constant 0 : i32
    %dma_start3A_99 = tpu.memref_slice %arg2[%dma_start3A_98] : memref<7999488xf32, #tpu.memory_space<hbm>> -> memref<7999488xf32, #tpu.memory_space<hbm>>
    tpu.enqueue_indirect_dma source(%dma_start3A_99 : memref<7999488xf32, #tpu.memory_space<hbm>>) target(%dma_start3A_94 : memref<128xf32, #tpu.memory_space<vmem>>) offsets(%dma_start3A_97 : memref<128xi32, #tpu.memory_space<vmem>>) semaphore(%arg18 : memref<!tpu.dma_semaphore, #tpu.memory_space<semaphore_mem>>)
    %dma_start3A_100 = arith.constant 10 : i32
    %dma_start3A_101 = arith.constant 10 : i32
    %dma_start3A_102 = arith.constant 0 : i32
    %dma_start3A_103 = tpu.memref_slice %arg13[%dma_start3A_101, %dma_start3A_102] : memref<16x128xf32, #tpu.memory_space<vmem>> -> memref<1x128xf32, #tpu.memory_space<vmem>>
    %dma_start3A_104 = tpu.memref_squeeze %dma_start3A_103 : memref<1x128xf32, #tpu.memory_space<vmem>> -> memref<128xf32, #tpu.memory_space<vmem>>
    %dma_start3A_105 = arith.constant 0 : i32
    %dma_start3A_106 = tpu.memref_slice %arg11[%dma_start3A_100, %dma_start3A_105] : memref<16x128xi32, #tpu.memory_space<vmem>> -> memref<1x128xi32, #tpu.memory_space<vmem>>
    %dma_start3A_107 = tpu.memref_squeeze %dma_start3A_106 : memref<1x128xi32, #tpu.memory_space<vmem>> -> memref<128xi32, #tpu.memory_space<vmem>>
    %dma_start3A_108 = arith.constant 0 : i32
    %dma_start3A_109 = tpu.memref_slice %arg2[%dma_start3A_108] : memref<7999488xf32, #tpu.memory_space<hbm>> -> memref<7999488xf32, #tpu.memory_space<hbm>>
    tpu.enqueue_indirect_dma source(%dma_start3A_109 : memref<7999488xf32, #tpu.memory_space<hbm>>) target(%dma_start3A_104 : memref<128xf32, #tpu.memory_space<vmem>>) offsets(%dma_start3A_107 : memref<128xi32, #tpu.memory_space<vmem>>) semaphore(%arg18 : memref<!tpu.dma_semaphore, #tpu.memory_space<semaphore_mem>>)
    %dma_start3A_110 = arith.constant 11 : i32
    %dma_start3A_111 = arith.constant 11 : i32
    %dma_start3A_112 = arith.constant 0 : i32
    %dma_start3A_113 = tpu.memref_slice %arg13[%dma_start3A_111, %dma_start3A_112] : memref<16x128xf32, #tpu.memory_space<vmem>> -> memref<1x128xf32, #tpu.memory_space<vmem>>
    %dma_start3A_114 = tpu.memref_squeeze %dma_start3A_113 : memref<1x128xf32, #tpu.memory_space<vmem>> -> memref<128xf32, #tpu.memory_space<vmem>>
    %dma_start3A_115 = arith.constant 0 : i32
    %dma_start3A_116 = tpu.memref_slice %arg11[%dma_start3A_110, %dma_start3A_115] : memref<16x128xi32, #tpu.memory_space<vmem>> -> memref<1x128xi32, #tpu.memory_space<vmem>>
    %dma_start3A_117 = tpu.memref_squeeze %dma_start3A_116 : memref<1x128xi32, #tpu.memory_space<vmem>> -> memref<128xi32, #tpu.memory_space<vmem>>
    %dma_start3A_118 = arith.constant 0 : i32
    %dma_start3A_119 = tpu.memref_slice %arg2[%dma_start3A_118] : memref<7999488xf32, #tpu.memory_space<hbm>> -> memref<7999488xf32, #tpu.memory_space<hbm>>
    tpu.enqueue_indirect_dma source(%dma_start3A_119 : memref<7999488xf32, #tpu.memory_space<hbm>>) target(%dma_start3A_114 : memref<128xf32, #tpu.memory_space<vmem>>) offsets(%dma_start3A_117 : memref<128xi32, #tpu.memory_space<vmem>>) semaphore(%arg18 : memref<!tpu.dma_semaphore, #tpu.memory_space<semaphore_mem>>)
    %dma_start3A_120 = arith.constant 12 : i32
    %dma_start3A_121 = arith.constant 12 : i32
    %dma_start3A_122 = arith.constant 0 : i32
    %dma_start3A_123 = tpu.memref_slice %arg13[%dma_start3A_121, %dma_start3A_122] : memref<16x128xf32, #tpu.memory_space<vmem>> -> memref<1x128xf32, #tpu.memory_space<vmem>>
    %dma_start3A_124 = tpu.memref_squeeze %dma_start3A_123 : memref<1x128xf32, #tpu.memory_space<vmem>> -> memref<128xf32, #tpu.memory_space<vmem>>
    %dma_start3A_125 = arith.constant 0 : i32
    %dma_start3A_126 = tpu.memref_slice %arg11[%dma_start3A_120, %dma_start3A_125] : memref<16x128xi32, #tpu.memory_space<vmem>> -> memref<1x128xi32, #tpu.memory_space<vmem>>
    %dma_start3A_127 = tpu.memref_squeeze %dma_start3A_126 : memref<1x128xi32, #tpu.memory_space<vmem>> -> memref<128xi32, #tpu.memory_space<vmem>>
    %dma_start3A_128 = arith.constant 0 : i32
    %dma_start3A_129 = tpu.memref_slice %arg2[%dma_start3A_128] : memref<7999488xf32, #tpu.memory_space<hbm>> -> memref<7999488xf32, #tpu.memory_space<hbm>>
    tpu.enqueue_indirect_dma source(%dma_start3A_129 : memref<7999488xf32, #tpu.memory_space<hbm>>) target(%dma_start3A_124 : memref<128xf32, #tpu.memory_space<vmem>>) offsets(%dma_start3A_127 : memref<128xi32, #tpu.memory_space<vmem>>) semaphore(%arg18 : memref<!tpu.dma_semaphore, #tpu.memory_space<semaphore_mem>>)
    %dma_start3A_130 = arith.constant 13 : i32
    %dma_start3A_131 = arith.constant 13 : i32
    %dma_start3A_132 = arith.constant 0 : i32
    %dma_start3A_133 = tpu.memref_slice %arg13[%dma_start3A_131, %dma_start3A_132] : memref<16x128xf32, #tpu.memory_space<vmem>> -> memref<1x128xf32, #tpu.memory_space<vmem>>
    %dma_start3A_134 = tpu.memref_squeeze %dma_start3A_133 : memref<1x128xf32, #tpu.memory_space<vmem>> -> memref<128xf32, #tpu.memory_space<vmem>>
    %dma_start3A_135 = arith.constant 0 : i32
    %dma_start3A_136 = tpu.memref_slice %arg11[%dma_start3A_130, %dma_start3A_135] : memref<16x128xi32, #tpu.memory_space<vmem>> -> memref<1x128xi32, #tpu.memory_space<vmem>>
    %dma_start3A_137 = tpu.memref_squeeze %dma_start3A_136 : memref<1x128xi32, #tpu.memory_space<vmem>> -> memref<128xi32, #tpu.memory_space<vmem>>
    %dma_start3A_138 = arith.constant 0 : i32
    %dma_start3A_139 = tpu.memref_slice %arg2[%dma_start3A_138] : memref<7999488xf32, #tpu.memory_space<hbm>> -> memref<7999488xf32, #tpu.memory_space<hbm>>
    tpu.enqueue_indirect_dma source(%dma_start3A_139 : memref<7999488xf32, #tpu.memory_space<hbm>>) target(%dma_start3A_134 : memref<128xf32, #tpu.memory_space<vmem>>) offsets(%dma_start3A_137 : memref<128xi32, #tpu.memory_space<vmem>>) semaphore(%arg18 : memref<!tpu.dma_semaphore, #tpu.memory_space<semaphore_mem>>)
    %dma_start3A_140 = arith.constant 14 : i32
    %dma_start3A_141 = arith.constant 14 : i32
    %dma_start3A_142 = arith.constant 0 : i32
    %dma_start3A_143 = tpu.memref_slice %arg13[%dma_start3A_141, %dma_start3A_142] : memref<16x128xf32, #tpu.memory_space<vmem>> -> memref<1x128xf32, #tpu.memory_space<vmem>>
    %dma_start3A_144 = tpu.memref_squeeze %dma_start3A_143 : memref<1x128xf32, #tpu.memory_space<vmem>> -> memref<128xf32, #tpu.memory_space<vmem>>
    %dma_start3A_145 = arith.constant 0 : i32
    %dma_start3A_146 = tpu.memref_slice %arg11[%dma_start3A_140, %dma_start3A_145] : memref<16x128xi32, #tpu.memory_space<vmem>> -> memref<1x128xi32, #tpu.memory_space<vmem>>
    %dma_start3A_147 = tpu.memref_squeeze %dma_start3A_146 : memref<1x128xi32, #tpu.memory_space<vmem>> -> memref<128xi32, #tpu.memory_space<vmem>>
    %dma_start3A_148 = arith.constant 0 : i32
    %dma_start3A_149 = tpu.memref_slice %arg2[%dma_start3A_148] : memref<7999488xf32, #tpu.memory_space<hbm>> -> memref<7999488xf32, #tpu.memory_space<hbm>>
    tpu.enqueue_indirect_dma source(%dma_start3A_149 : memref<7999488xf32, #tpu.memory_space<hbm>>) target(%dma_start3A_144 : memref<128xf32, #tpu.memory_space<vmem>>) offsets(%dma_start3A_147 : memref<128xi32, #tpu.memory_space<vmem>>) semaphore(%arg18 : memref<!tpu.dma_semaphore, #tpu.memory_space<semaphore_mem>>)
    %dma_start3A_150 = arith.constant 15 : i32
    %dma_start3A_151 = arith.constant 15 : i32
    %dma_start3A_152 = arith.constant 0 : i32
    %dma_start3A_153 = tpu.memref_slice %arg13[%dma_start3A_151, %dma_start3A_152] : memref<16x128xf32, #tpu.memory_space<vmem>> -> memref<1x128xf32, #tpu.memory_space<vmem>>
    %dma_start3A_154 = tpu.memref_squeeze %dma_start3A_153 : memref<1x128xf32, #tpu.memory_space<vmem>> -> memref<128xf32, #tpu.memory_space<vmem>>
    %dma_start3A_155 = arith.constant 0 : i32
    %dma_start3A_156 = tpu.memref_slice %arg11[%dma_start3A_150, %dma_start3A_155] : memref<16x128xi32, #tpu.memory_space<vmem>> -> memref<1x128xi32, #tpu.memory_space<vmem>>
    %dma_start3A_157 = tpu.memref_squeeze %dma_start3A_156 : memref<1x128xi32, #tpu.memory_space<vmem>> -> memref<128xi32, #tpu.memory_space<vmem>>
    %dma_start3A_158 = arith.constant 0 : i32
    %dma_start3A_159 = tpu.memref_slice %arg2[%dma_start3A_158] : memref<7999488xf32, #tpu.memory_space<hbm>> -> memref<7999488xf32, #tpu.memory_space<hbm>>
    tpu.enqueue_indirect_dma source(%dma_start3A_159 : memref<7999488xf32, #tpu.memory_space<hbm>>) target(%dma_start3A_154 : memref<128xf32, #tpu.memory_space<vmem>>) offsets(%dma_start3A_157 : memref<128xi32, #tpu.memory_space<vmem>>) semaphore(%arg18 : memref<!tpu.dma_semaphore, #tpu.memory_space<semaphore_mem>>)
    %dma_start3A_160 = arith.constant 0 : i32
    %dma_start3A_161 = arith.constant 0 : i32
    %dma_start3A_162 = arith.constant 0 : i32
    %dma_start3A_163 = tpu.memref_slice %arg14[%dma_start3A_161, %dma_start3A_162] : memref<32x128xf32, #tpu.memory_space<vmem>> -> memref<1x128xf32, #tpu.memory_space<vmem>>
    %dma_start3A_164 = tpu.memref_squeeze %dma_start3A_163 : memref<1x128xf32, #tpu.memory_space<vmem>> -> memref<128xf32, #tpu.memory_space<vmem>>
    %dma_start3A_165 = arith.constant 0 : i32
    %dma_start3A_166 = tpu.memref_slice %arg12[%dma_start3A_160, %dma_start3A_165] : memref<32x128xi32, #tpu.memory_space<vmem>> -> memref<1x128xi32, #tpu.memory_space<vmem>>
    %dma_start3A_167 = tpu.memref_squeeze %dma_start3A_166 : memref<1x128xi32, #tpu.memory_space<vmem>> -> memref<128xi32, #tpu.memory_space<vmem>>
    %dma_start3A_168 = arith.constant 0 : i32
    %dma_start3A_169 = tpu.memref_slice %arg3[%dma_start3A_168] : memref<7999488xf32, #tpu.memory_space<hbm>> -> memref<7999488xf32, #tpu.memory_space<hbm>>
    tpu.enqueue_indirect_dma source(%dma_start3A_169 : memref<7999488xf32, #tpu.memory_space<hbm>>) target(%dma_start3A_164 : memref<128xf32, #tpu.memory_space<vmem>>) offsets(%dma_start3A_167 : memref<128xi32, #tpu.memory_space<vmem>>) semaphore(%arg18 : memref<!tpu.dma_semaphore, #tpu.memory_space<semaphore_mem>>)
    %dma_start3A_170 = arith.constant 1 : i32
    %dma_start3A_171 = arith.constant 1 : i32
    %dma_start3A_172 = arith.constant 0 : i32
    %dma_start3A_173 = tpu.memref_slice %arg14[%dma_start3A_171, %dma_start3A_172] : memref<32x128xf32, #tpu.memory_space<vmem>> -> memref<1x128xf32, #tpu.memory_space<vmem>>
    %dma_start3A_174 = tpu.memref_squeeze %dma_start3A_173 : memref<1x128xf32, #tpu.memory_space<vmem>> -> memref<128xf32, #tpu.memory_space<vmem>>
    %dma_start3A_175 = arith.constant 0 : i32
    %dma_start3A_176 = tpu.memref_slice %arg12[%dma_start3A_170, %dma_start3A_175] : memref<32x128xi32, #tpu.memory_space<vmem>> -> memref<1x128xi32, #tpu.memory_space<vmem>>
    %dma_start3A_177 = tpu.memref_squeeze %dma_start3A_176 : memref<1x128xi32, #tpu.memory_space<vmem>> -> memref<128xi32, #tpu.memory_space<vmem>>
    %dma_start3A_178 = arith.constant 0 : i32
    %dma_start3A_179 = tpu.memref_slice %arg3[%dma_start3A_178] : memref<7999488xf32, #tpu.memory_space<hbm>> -> memref<7999488xf32, #tpu.memory_space<hbm>>
    tpu.enqueue_indirect_dma source(%dma_start3A_179 : memref<7999488xf32, #tpu.memory_space<hbm>>) target(%dma_start3A_174 : memref<128xf32, #tpu.memory_space<vmem>>) offsets(%dma_start3A_177 : memref<128xi32, #tpu.memory_space<vmem>>) semaphore(%arg18 : memref<!tpu.dma_semaphore, #tpu.memory_space<semaphore_mem>>)
    %dma_start3A_180 = arith.constant 2 : i32
    %dma_start3A_181 = arith.constant 2 : i32
    %dma_start3A_182 = arith.constant 0 : i32
    %dma_start3A_183 = tpu.memref_slice %arg14[%dma_start3A_181, %dma_start3A_182] : memref<32x128xf32, #tpu.memory_space<vmem>> -> memref<1x128xf32, #tpu.memory_space<vmem>>
    %dma_start3A_184 = tpu.memref_squeeze %dma_start3A_183 : memref<1x128xf32, #tpu.memory_space<vmem>> -> memref<128xf32, #tpu.memory_space<vmem>>
    %dma_start3A_185 = arith.constant 0 : i32
    %dma_start3A_186 = tpu.memref_slice %arg12[%dma_start3A_180, %dma_start3A_185] : memref<32x128xi32, #tpu.memory_space<vmem>> -> memref<1x128xi32, #tpu.memory_space<vmem>>
    %dma_start3A_187 = tpu.memref_squeeze %dma_start3A_186 : memref<1x128xi32, #tpu.memory_space<vmem>> -> memref<128xi32, #tpu.memory_space<vmem>>
    %dma_start3A_188 = arith.constant 0 : i32
    %dma_start3A_189 = tpu.memref_slice %arg3[%dma_start3A_188] : memref<7999488xf32, #tpu.memory_space<hbm>> -> memref<7999488xf32, #tpu.memory_space<hbm>>
    tpu.enqueue_indirect_dma source(%dma_start3A_189 : memref<7999488xf32, #tpu.memory_space<hbm>>) target(%dma_start3A_184 : memref<128xf32, #tpu.memory_space<vmem>>) offsets(%dma_start3A_187 : memref<128xi32, #tpu.memory_space<vmem>>) semaphore(%arg18 : memref<!tpu.dma_semaphore, #tpu.memory_space<semaphore_mem>>)
    %dma_start3A_190 = arith.constant 3 : i32
    %dma_start3A_191 = arith.constant 3 : i32
    %dma_start3A_192 = arith.constant 0 : i32
    %dma_start3A_193 = tpu.memref_slice %arg14[%dma_start3A_191, %dma_start3A_192] : memref<32x128xf32, #tpu.memory_space<vmem>> -> memref<1x128xf32, #tpu.memory_space<vmem>>
    %dma_start3A_194 = tpu.memref_squeeze %dma_start3A_193 : memref<1x128xf32, #tpu.memory_space<vmem>> -> memref<128xf32, #tpu.memory_space<vmem>>
    %dma_start3A_195 = arith.constant 0 : i32
    %dma_start3A_196 = tpu.memref_slice %arg12[%dma_start3A_190, %dma_start3A_195] : memref<32x128xi32, #tpu.memory_space<vmem>> -> memref<1x128xi32, #tpu.memory_space<vmem>>
    %dma_start3A_197 = tpu.memref_squeeze %dma_start3A_196 : memref<1x128xi32, #tpu.memory_space<vmem>> -> memref<128xi32, #tpu.memory_space<vmem>>
    %dma_start3A_198 = arith.constant 0 : i32
    %dma_start3A_199 = tpu.memref_slice %arg3[%dma_start3A_198] : memref<7999488xf32, #tpu.memory_space<hbm>> -> memref<7999488xf32, #tpu.memory_space<hbm>>
    tpu.enqueue_indirect_dma source(%dma_start3A_199 : memref<7999488xf32, #tpu.memory_space<hbm>>) target(%dma_start3A_194 : memref<128xf32, #tpu.memory_space<vmem>>) offsets(%dma_start3A_197 : memref<128xi32, #tpu.memory_space<vmem>>) semaphore(%arg18 : memref<!tpu.dma_semaphore, #tpu.memory_space<semaphore_mem>>)
    %dma_start3A_200 = arith.constant 4 : i32
    %dma_start3A_201 = arith.constant 4 : i32
    %dma_start3A_202 = arith.constant 0 : i32
    %dma_start3A_203 = tpu.memref_slice %arg14[%dma_start3A_201, %dma_start3A_202] : memref<32x128xf32, #tpu.memory_space<vmem>> -> memref<1x128xf32, #tpu.memory_space<vmem>>
    %dma_start3A_204 = tpu.memref_squeeze %dma_start3A_203 : memref<1x128xf32, #tpu.memory_space<vmem>> -> memref<128xf32, #tpu.memory_space<vmem>>
    %dma_start3A_205 = arith.constant 0 : i32
    %dma_start3A_206 = tpu.memref_slice %arg12[%dma_start3A_200, %dma_start3A_205] : memref<32x128xi32, #tpu.memory_space<vmem>> -> memref<1x128xi32, #tpu.memory_space<vmem>>
    %dma_start3A_207 = tpu.memref_squeeze %dma_start3A_206 : memref<1x128xi32, #tpu.memory_space<vmem>> -> memref<128xi32, #tpu.memory_space<vmem>>
    %dma_start3A_208 = arith.constant 0 : i32
    %dma_start3A_209 = tpu.memref_slice %arg3[%dma_start3A_208] : memref<7999488xf32, #tpu.memory_space<hbm>> -> memref<7999488xf32, #tpu.memory_space<hbm>>
    tpu.enqueue_indirect_dma source(%dma_start3A_209 : memref<7999488xf32, #tpu.memory_space<hbm>>) target(%dma_start3A_204 : memref<128xf32, #tpu.memory_space<vmem>>) offsets(%dma_start3A_207 : memref<128xi32, #tpu.memory_space<vmem>>) semaphore(%arg18 : memref<!tpu.dma_semaphore, #tpu.memory_space<semaphore_mem>>)
    %dma_start3A_210 = arith.constant 5 : i32
    %dma_start3A_211 = arith.constant 5 : i32
    %dma_start3A_212 = arith.constant 0 : i32
    %dma_start3A_213 = tpu.memref_slice %arg14[%dma_start3A_211, %dma_start3A_212] : memref<32x128xf32, #tpu.memory_space<vmem>> -> memref<1x128xf32, #tpu.memory_space<vmem>>
    %dma_start3A_214 = tpu.memref_squeeze %dma_start3A_213 : memref<1x128xf32, #tpu.memory_space<vmem>> -> memref<128xf32, #tpu.memory_space<vmem>>
    %dma_start3A_215 = arith.constant 0 : i32
    %dma_start3A_216 = tpu.memref_slice %arg12[%dma_start3A_210, %dma_start3A_215] : memref<32x128xi32, #tpu.memory_space<vmem>> -> memref<1x128xi32, #tpu.memory_space<vmem>>
    %dma_start3A_217 = tpu.memref_squeeze %dma_start3A_216 : memref<1x128xi32, #tpu.memory_space<vmem>> -> memref<128xi32, #tpu.memory_space<vmem>>
    %dma_start3A_218 = arith.constant 0 : i32
    %dma_start3A_219 = tpu.memref_slice %arg3[%dma_start3A_218] : memref<7999488xf32, #tpu.memory_space<hbm>> -> memref<7999488xf32, #tpu.memory_space<hbm>>
    tpu.enqueue_indirect_dma source(%dma_start3A_219 : memref<7999488xf32, #tpu.memory_space<hbm>>) target(%dma_start3A_214 : memref<128xf32, #tpu.memory_space<vmem>>) offsets(%dma_start3A_217 : memref<128xi32, #tpu.memory_space<vmem>>) semaphore(%arg18 : memref<!tpu.dma_semaphore, #tpu.memory_space<semaphore_mem>>)
    %dma_start3A_220 = arith.constant 6 : i32
    %dma_start3A_221 = arith.constant 6 : i32
    %dma_start3A_222 = arith.constant 0 : i32
    %dma_start3A_223 = tpu.memref_slice %arg14[%dma_start3A_221, %dma_start3A_222] : memref<32x128xf32, #tpu.memory_space<vmem>> -> memref<1x128xf32, #tpu.memory_space<vmem>>
    %dma_start3A_224 = tpu.memref_squeeze %dma_start3A_223 : memref<1x128xf32, #tpu.memory_space<vmem>> -> memref<128xf32, #tpu.memory_space<vmem>>
    %dma_start3A_225 = arith.constant 0 : i32
    %dma_start3A_226 = tpu.memref_slice %arg12[%dma_start3A_220, %dma_start3A_225] : memref<32x128xi32, #tpu.memory_space<vmem>> -> memref<1x128xi32, #tpu.memory_space<vmem>>
    %dma_start3A_227 = tpu.memref_squeeze %dma_start3A_226 : memref<1x128xi32, #tpu.memory_space<vmem>> -> memref<128xi32, #tpu.memory_space<vmem>>
    %dma_start3A_228 = arith.constant 0 : i32
    %dma_start3A_229 = tpu.memref_slice %arg3[%dma_start3A_228] : memref<7999488xf32, #tpu.memory_space<hbm>> -> memref<7999488xf32, #tpu.memory_space<hbm>>
    tpu.enqueue_indirect_dma source(%dma_start3A_229 : memref<7999488xf32, #tpu.memory_space<hbm>>) target(%dma_start3A_224 : memref<128xf32, #tpu.memory_space<vmem>>) offsets(%dma_start3A_227 : memref<128xi32, #tpu.memory_space<vmem>>) semaphore(%arg18 : memref<!tpu.dma_semaphore, #tpu.memory_space<semaphore_mem>>)
    %dma_start3A_230 = arith.constant 7 : i32
    %dma_start3A_231 = arith.constant 7 : i32
    %dma_start3A_232 = arith.constant 0 : i32
    %dma_start3A_233 = tpu.memref_slice %arg14[%dma_start3A_231, %dma_start3A_232] : memref<32x128xf32, #tpu.memory_space<vmem>> -> memref<1x128xf32, #tpu.memory_space<vmem>>
    %dma_start3A_234 = tpu.memref_squeeze %dma_start3A_233 : memref<1x128xf32, #tpu.memory_space<vmem>> -> memref<128xf32, #tpu.memory_space<vmem>>
    %dma_start3A_235 = arith.constant 0 : i32
    %dma_start3A_236 = tpu.memref_slice %arg12[%dma_start3A_230, %dma_start3A_235] : memref<32x128xi32, #tpu.memory_space<vmem>> -> memref<1x128xi32, #tpu.memory_space<vmem>>
    %dma_start3A_237 = tpu.memref_squeeze %dma_start3A_236 : memref<1x128xi32, #tpu.memory_space<vmem>> -> memref<128xi32, #tpu.memory_space<vmem>>
    %dma_start3A_238 = arith.constant 0 : i32
    %dma_start3A_239 = tpu.memref_slice %arg3[%dma_start3A_238] : memref<7999488xf32, #tpu.memory_space<hbm>> -> memref<7999488xf32, #tpu.memory_space<hbm>>
    tpu.enqueue_indirect_dma source(%dma_start3A_239 : memref<7999488xf32, #tpu.memory_space<hbm>>) target(%dma_start3A_234 : memref<128xf32, #tpu.memory_space<vmem>>) offsets(%dma_start3A_237 : memref<128xi32, #tpu.memory_space<vmem>>) semaphore(%arg18 : memref<!tpu.dma_semaphore, #tpu.memory_space<semaphore_mem>>)
    %dma_start3A_240 = arith.constant 8 : i32
    %dma_start3A_241 = arith.constant 8 : i32
    %dma_start3A_242 = arith.constant 0 : i32
    %dma_start3A_243 = tpu.memref_slice %arg14[%dma_start3A_241, %dma_start3A_242] : memref<32x128xf32, #tpu.memory_space<vmem>> -> memref<1x128xf32, #tpu.memory_space<vmem>>
    %dma_start3A_244 = tpu.memref_squeeze %dma_start3A_243 : memref<1x128xf32, #tpu.memory_space<vmem>> -> memref<128xf32, #tpu.memory_space<vmem>>
    %dma_start3A_245 = arith.constant 0 : i32
    %dma_start3A_246 = tpu.memref_slice %arg12[%dma_start3A_240, %dma_start3A_245] : memref<32x128xi32, #tpu.memory_space<vmem>> -> memref<1x128xi32, #tpu.memory_space<vmem>>
    %dma_start3A_247 = tpu.memref_squeeze %dma_start3A_246 : memref<1x128xi32, #tpu.memory_space<vmem>> -> memref<128xi32, #tpu.memory_space<vmem>>
    %dma_start3A_248 = arith.constant 0 : i32
    %dma_start3A_249 = tpu.memref_slice %arg3[%dma_start3A_248] : memref<7999488xf32, #tpu.memory_space<hbm>> -> memref<7999488xf32, #tpu.memory_space<hbm>>
    tpu.enqueue_indirect_dma source(%dma_start3A_249 : memref<7999488xf32, #tpu.memory_space<hbm>>) target(%dma_start3A_244 : memref<128xf32, #tpu.memory_space<vmem>>) offsets(%dma_start3A_247 : memref<128xi32, #tpu.memory_space<vmem>>) semaphore(%arg18 : memref<!tpu.dma_semaphore, #tpu.memory_space<semaphore_mem>>)
    %dma_start3A_250 = arith.constant 9 : i32
    %dma_start3A_251 = arith.constant 9 : i32
    %dma_start3A_252 = arith.constant 0 : i32
    %dma_start3A_253 = tpu.memref_slice %arg14[%dma_start3A_251, %dma_start3A_252] : memref<32x128xf32, #tpu.memory_space<vmem>> -> memref<1x128xf32, #tpu.memory_space<vmem>>
    %dma_start3A_254 = tpu.memref_squeeze %dma_start3A_253 : memref<1x128xf32, #tpu.memory_space<vmem>> -> memref<128xf32, #tpu.memory_space<vmem>>
    %dma_start3A_255 = arith.constant 0 : i32
    %dma_start3A_256 = tpu.memref_slice %arg12[%dma_start3A_250, %dma_start3A_255] : memref<32x128xi32, #tpu.memory_space<vmem>> -> memref<1x128xi32, #tpu.memory_space<vmem>>
    %dma_start3A_257 = tpu.memref_squeeze %dma_start3A_256 : memref<1x128xi32, #tpu.memory_space<vmem>> -> memref<128xi32, #tpu.memory_space<vmem>>
    %dma_start3A_258 = arith.constant 0 : i32
    %dma_start3A_259 = tpu.memref_slice %arg3[%dma_start3A_258] : memref<7999488xf32, #tpu.memory_space<hbm>> -> memref<7999488xf32, #tpu.memory_space<hbm>>
    tpu.enqueue_indirect_dma source(%dma_start3A_259 : memref<7999488xf32, #tpu.memory_space<hbm>>) target(%dma_start3A_254 : memref<128xf32, #tpu.memory_space<vmem>>) offsets(%dma_start3A_257 : memref<128xi32, #tpu.memory_space<vmem>>) semaphore(%arg18 : memref<!tpu.dma_semaphore, #tpu.memory_space<semaphore_mem>>)
    %dma_start3A_260 = arith.constant 10 : i32
    %dma_start3A_261 = arith.constant 10 : i32
    %dma_start3A_262 = arith.constant 0 : i32
    %dma_start3A_263 = tpu.memref_slice %arg14[%dma_start3A_261, %dma_start3A_262] : memref<32x128xf32, #tpu.memory_space<vmem>> -> memref<1x128xf32, #tpu.memory_space<vmem>>
    %dma_start3A_264 = tpu.memref_squeeze %dma_start3A_263 : memref<1x128xf32, #tpu.memory_space<vmem>> -> memref<128xf32, #tpu.memory_space<vmem>>
    %dma_start3A_265 = arith.constant 0 : i32
    %dma_start3A_266 = tpu.memref_slice %arg12[%dma_start3A_260, %dma_start3A_265] : memref<32x128xi32, #tpu.memory_space<vmem>> -> memref<1x128xi32, #tpu.memory_space<vmem>>
    %dma_start3A_267 = tpu.memref_squeeze %dma_start3A_266 : memref<1x128xi32, #tpu.memory_space<vmem>> -> memref<128xi32, #tpu.memory_space<vmem>>
    %dma_start3A_268 = arith.constant 0 : i32
    %dma_start3A_269 = tpu.memref_slice %arg3[%dma_start3A_268] : memref<7999488xf32, #tpu.memory_space<hbm>> -> memref<7999488xf32, #tpu.memory_space<hbm>>
    tpu.enqueue_indirect_dma source(%dma_start3A_269 : memref<7999488xf32, #tpu.memory_space<hbm>>) target(%dma_start3A_264 : memref<128xf32, #tpu.memory_space<vmem>>) offsets(%dma_start3A_267 : memref<128xi32, #tpu.memory_space<vmem>>) semaphore(%arg18 : memref<!tpu.dma_semaphore, #tpu.memory_space<semaphore_mem>>)
    %dma_start3A_270 = arith.constant 11 : i32
    %dma_start3A_271 = arith.constant 11 : i32
    %dma_start3A_272 = arith.constant 0 : i32
    %dma_start3A_273 = tpu.memref_slice %arg14[%dma_start3A_271, %dma_start3A_272] : memref<32x128xf32, #tpu.memory_space<vmem>> -> memref<1x128xf32, #tpu.memory_space<vmem>>
    %dma_start3A_274 = tpu.memref_squeeze %dma_start3A_273 : memref<1x128xf32, #tpu.memory_space<vmem>> -> memref<128xf32, #tpu.memory_space<vmem>>
    %dma_start3A_275 = arith.constant 0 : i32
    %dma_start3A_276 = tpu.memref_slice %arg12[%dma_start3A_270, %dma_start3A_275] : memref<32x128xi32, #tpu.memory_space<vmem>> -> memref<1x128xi32, #tpu.memory_space<vmem>>
    %dma_start3A_277 = tpu.memref_squeeze %dma_start3A_276 : memref<1x128xi32, #tpu.memory_space<vmem>> -> memref<128xi32, #tpu.memory_space<vmem>>
    %dma_start3A_278 = arith.constant 0 : i32
    %dma_start3A_279 = tpu.memref_slice %arg3[%dma_start3A_278] : memref<7999488xf32, #tpu.memory_space<hbm>> -> memref<7999488xf32, #tpu.memory_space<hbm>>
    tpu.enqueue_indirect_dma source(%dma_start3A_279 : memref<7999488xf32, #tpu.memory_space<hbm>>) target(%dma_start3A_274 : memref<128xf32, #tpu.memory_space<vmem>>) offsets(%dma_start3A_277 : memref<128xi32, #tpu.memory_space<vmem>>) semaphore(%arg18 : memref<!tpu.dma_semaphore, #tpu.memory_space<semaphore_mem>>)
    %dma_start3A_280 = arith.constant 12 : i32
    %dma_start3A_281 = arith.constant 12 : i32
    %dma_start3A_282 = arith.constant 0 : i32
    %dma_start3A_283 = tpu.memref_slice %arg14[%dma_start3A_281, %dma_start3A_282] : memref<32x128xf32, #tpu.memory_space<vmem>> -> memref<1x128xf32, #tpu.memory_space<vmem>>
    %dma_start3A_284 = tpu.memref_squeeze %dma_start3A_283 : memref<1x128xf32, #tpu.memory_space<vmem>> -> memref<128xf32, #tpu.memory_space<vmem>>
    %dma_start3A_285 = arith.constant 0 : i32
    %dma_start3A_286 = tpu.memref_slice %arg12[%dma_start3A_280, %dma_start3A_285] : memref<32x128xi32, #tpu.memory_space<vmem>> -> memref<1x128xi32, #tpu.memory_space<vmem>>
    %dma_start3A_287 = tpu.memref_squeeze %dma_start3A_286 : memref<1x128xi32, #tpu.memory_space<vmem>> -> memref<128xi32, #tpu.memory_space<vmem>>
    %dma_start3A_288 = arith.constant 0 : i32
    %dma_start3A_289 = tpu.memref_slice %arg3[%dma_start3A_288] : memref<7999488xf32, #tpu.memory_space<hbm>> -> memref<7999488xf32, #tpu.memory_space<hbm>>
    tpu.enqueue_indirect_dma source(%dma_start3A_289 : memref<7999488xf32, #tpu.memory_space<hbm>>) target(%dma_start3A_284 : memref<128xf32, #tpu.memory_space<vmem>>) offsets(%dma_start3A_287 : memref<128xi32, #tpu.memory_space<vmem>>) semaphore(%arg18 : memref<!tpu.dma_semaphore, #tpu.memory_space<semaphore_mem>>)
    %dma_start3A_290 = arith.constant 13 : i32
    %dma_start3A_291 = arith.constant 13 : i32
    %dma_start3A_292 = arith.constant 0 : i32
    %dma_start3A_293 = tpu.memref_slice %arg14[%dma_start3A_291, %dma_start3A_292] : memref<32x128xf32, #tpu.memory_space<vmem>> -> memref<1x128xf32, #tpu.memory_space<vmem>>
    %dma_start3A_294 = tpu.memref_squeeze %dma_start3A_293 : memref<1x128xf32, #tpu.memory_space<vmem>> -> memref<128xf32, #tpu.memory_space<vmem>>
    %dma_start3A_295 = arith.constant 0 : i32
    %dma_start3A_296 = tpu.memref_slice %arg12[%dma_start3A_290, %dma_start3A_295] : memref<32x128xi32, #tpu.memory_space<vmem>> -> memref<1x128xi32, #tpu.memory_space<vmem>>
    %dma_start3A_297 = tpu.memref_squeeze %dma_start3A_296 : memref<1x128xi32, #tpu.memory_space<vmem>> -> memref<128xi32, #tpu.memory_space<vmem>>
    %dma_start3A_298 = arith.constant 0 : i32
    %dma_start3A_299 = tpu.memref_slice %arg3[%dma_start3A_298] : memref<7999488xf32, #tpu.memory_space<hbm>> -> memref<7999488xf32, #tpu.memory_space<hbm>>
    tpu.enqueue_indirect_dma source(%dma_start3A_299 : memref<7999488xf32, #tpu.memory_space<hbm>>) target(%dma_start3A_294 : memref<128xf32, #tpu.memory_space<vmem>>) offsets(%dma_start3A_297 : memref<128xi32, #tpu.memory_space<vmem>>) semaphore(%arg18 : memref<!tpu.dma_semaphore, #tpu.memory_space<semaphore_mem>>)
    %dma_start3A_300 = arith.constant 14 : i32
    %dma_start3A_301 = arith.constant 14 : i32
    %dma_start3A_302 = arith.constant 0 : i32
    %dma_start3A_303 = tpu.memref_slice %arg14[%dma_start3A_301, %dma_start3A_302] : memref<32x128xf32, #tpu.memory_space<vmem>> -> memref<1x128xf32, #tpu.memory_space<vmem>>
    %dma_start3A_304 = tpu.memref_squeeze %dma_start3A_303 : memref<1x128xf32, #tpu.memory_space<vmem>> -> memref<128xf32, #tpu.memory_space<vmem>>
    %dma_start3A_305 = arith.constant 0 : i32
    %dma_start3A_306 = tpu.memref_slice %arg12[%dma_start3A_300, %dma_start3A_305] : memref<32x128xi32, #tpu.memory_space<vmem>> -> memref<1x128xi32, #tpu.memory_space<vmem>>
    %dma_start3A_307 = tpu.memref_squeeze %dma_start3A_306 : memref<1x128xi32, #tpu.memory_space<vmem>> -> memref<128xi32, #tpu.memory_space<vmem>>
    %dma_start3A_308 = arith.constant 0 : i32
    %dma_start3A_309 = tpu.memref_slice %arg3[%dma_start3A_308] : memref<7999488xf32, #tpu.memory_space<hbm>> -> memref<7999488xf32, #tpu.memory_space<hbm>>
    tpu.enqueue_indirect_dma source(%dma_start3A_309 : memref<7999488xf32, #tpu.memory_space<hbm>>) target(%dma_start3A_304 : memref<128xf32, #tpu.memory_space<vmem>>) offsets(%dma_start3A_307 : memref<128xi32, #tpu.memory_space<vmem>>) semaphore(%arg18 : memref<!tpu.dma_semaphore, #tpu.memory_space<semaphore_mem>>)
    %dma_start3A_310 = arith.constant 15 : i32
    %dma_start3A_311 = arith.constant 15 : i32
    %dma_start3A_312 = arith.constant 0 : i32
    %dma_start3A_313 = tpu.memref_slice %arg14[%dma_start3A_311, %dma_start3A_312] : memref<32x128xf32, #tpu.memory_space<vmem>> -> memref<1x128xf32, #tpu.memory_space<vmem>>
    %dma_start3A_314 = tpu.memref_squeeze %dma_start3A_313 : memref<1x128xf32, #tpu.memory_space<vmem>> -> memref<128xf32, #tpu.memory_space<vmem>>
    %dma_start3A_315 = arith.constant 0 : i32
    %dma_start3A_316 = tpu.memref_slice %arg12[%dma_start3A_310, %dma_start3A_315] : memref<32x128xi32, #tpu.memory_space<vmem>> -> memref<1x128xi32, #tpu.memory_space<vmem>>
    %dma_start3A_317 = tpu.memref_squeeze %dma_start3A_316 : memref<1x128xi32, #tpu.memory_space<vmem>> -> memref<128xi32, #tpu.memory_space<vmem>>
    %dma_start3A_318 = arith.constant 0 : i32
    %dma_start3A_319 = tpu.memref_slice %arg3[%dma_start3A_318] : memref<7999488xf32, #tpu.memory_space<hbm>> -> memref<7999488xf32, #tpu.memory_space<hbm>>
    tpu.enqueue_indirect_dma source(%dma_start3A_319 : memref<7999488xf32, #tpu.memory_space<hbm>>) target(%dma_start3A_314 : memref<128xf32, #tpu.memory_space<vmem>>) offsets(%dma_start3A_317 : memref<128xi32, #tpu.memory_space<vmem>>) semaphore(%arg18 : memref<!tpu.dma_semaphore, #tpu.memory_space<semaphore_mem>>)
    %dma_start3A_320 = arith.constant 16 : i32
    %dma_start3A_321 = arith.constant 16 : i32
    %dma_start3A_322 = arith.constant 0 : i32
    %dma_start3A_323 = tpu.memref_slice %arg14[%dma_start3A_321, %dma_start3A_322] : memref<32x128xf32, #tpu.memory_space<vmem>> -> memref<1x128xf32, #tpu.memory_space<vmem>>
    %dma_start3A_324 = tpu.memref_squeeze %dma_start3A_323 : memref<1x128xf32, #tpu.memory_space<vmem>> -> memref<128xf32, #tpu.memory_space<vmem>>
    %dma_start3A_325 = arith.constant 0 : i32
    %dma_start3A_326 = tpu.memref_slice %arg12[%dma_start3A_320, %dma_start3A_325] : memref<32x128xi32, #tpu.memory_space<vmem>> -> memref<1x128xi32, #tpu.memory_space<vmem>>
    %dma_start3A_327 = tpu.memref_squeeze %dma_start3A_326 : memref<1x128xi32, #tpu.memory_space<vmem>> -> memref<128xi32, #tpu.memory_space<vmem>>
    %dma_start3A_328 = arith.constant 0 : i32
    %dma_start3A_329 = tpu.memref_slice %arg3[%dma_start3A_328] : memref<7999488xf32, #tpu.memory_space<hbm>> -> memref<7999488xf32, #tpu.memory_space<hbm>>
    tpu.enqueue_indirect_dma source(%dma_start3A_329 : memref<7999488xf32, #tpu.memory_space<hbm>>) target(%dma_start3A_324 : memref<128xf32, #tpu.memory_space<vmem>>) offsets(%dma_start3A_327 : memref<128xi32, #tpu.memory_space<vmem>>) semaphore(%arg18 : memref<!tpu.dma_semaphore, #tpu.memory_space<semaphore_mem>>)
    %dma_start3A_330 = arith.constant 17 : i32
    %dma_start3A_331 = arith.constant 17 : i32
    %dma_start3A_332 = arith.constant 0 : i32
    %dma_start3A_333 = tpu.memref_slice %arg14[%dma_start3A_331, %dma_start3A_332] : memref<32x128xf32, #tpu.memory_space<vmem>> -> memref<1x128xf32, #tpu.memory_space<vmem>>
    %dma_start3A_334 = tpu.memref_squeeze %dma_start3A_333 : memref<1x128xf32, #tpu.memory_space<vmem>> -> memref<128xf32, #tpu.memory_space<vmem>>
    %dma_start3A_335 = arith.constant 0 : i32
    %dma_start3A_336 = tpu.memref_slice %arg12[%dma_start3A_330, %dma_start3A_335] : memref<32x128xi32, #tpu.memory_space<vmem>> -> memref<1x128xi32, #tpu.memory_space<vmem>>
    %dma_start3A_337 = tpu.memref_squeeze %dma_start3A_336 : memref<1x128xi32, #tpu.memory_space<vmem>> -> memref<128xi32, #tpu.memory_space<vmem>>
    %dma_start3A_338 = arith.constant 0 : i32
    %dma_start3A_339 = tpu.memref_slice %arg3[%dma_start3A_338] : memref<7999488xf32, #tpu.memory_space<hbm>> -> memref<7999488xf32, #tpu.memory_space<hbm>>
    tpu.enqueue_indirect_dma source(%dma_start3A_339 : memref<7999488xf32, #tpu.memory_space<hbm>>) target(%dma_start3A_334 : memref<128xf32, #tpu.memory_space<vmem>>) offsets(%dma_start3A_337 : memref<128xi32, #tpu.memory_space<vmem>>) semaphore(%arg18 : memref<!tpu.dma_semaphore, #tpu.memory_space<semaphore_mem>>)
    %dma_start3A_340 = arith.constant 18 : i32
    %dma_start3A_341 = arith.constant 18 : i32
    %dma_start3A_342 = arith.constant 0 : i32
    %dma_start3A_343 = tpu.memref_slice %arg14[%dma_start3A_341, %dma_start3A_342] : memref<32x128xf32, #tpu.memory_space<vmem>> -> memref<1x128xf32, #tpu.memory_space<vmem>>
    %dma_start3A_344 = tpu.memref_squeeze %dma_start3A_343 : memref<1x128xf32, #tpu.memory_space<vmem>> -> memref<128xf32, #tpu.memory_space<vmem>>
    %dma_start3A_345 = arith.constant 0 : i32
    %dma_start3A_346 = tpu.memref_slice %arg12[%dma_start3A_340, %dma_start3A_345] : memref<32x128xi32, #tpu.memory_space<vmem>> -> memref<1x128xi32, #tpu.memory_space<vmem>>
    %dma_start3A_347 = tpu.memref_squeeze %dma_start3A_346 : memref<1x128xi32, #tpu.memory_space<vmem>> -> memref<128xi32, #tpu.memory_space<vmem>>
    %dma_start3A_348 = arith.constant 0 : i32
    %dma_start3A_349 = tpu.memref_slice %arg3[%dma_start3A_348] : memref<7999488xf32, #tpu.memory_space<hbm>> -> memref<7999488xf32, #tpu.memory_space<hbm>>
    tpu.enqueue_indirect_dma source(%dma_start3A_349 : memref<7999488xf32, #tpu.memory_space<hbm>>) target(%dma_start3A_344 : memref<128xf32, #tpu.memory_space<vmem>>) offsets(%dma_start3A_347 : memref<128xi32, #tpu.memory_space<vmem>>) semaphore(%arg18 : memref<!tpu.dma_semaphore, #tpu.memory_space<semaphore_mem>>)
    %dma_start3A_350 = arith.constant 19 : i32
    %dma_start3A_351 = arith.constant 19 : i32
    %dma_start3A_352 = arith.constant 0 : i32
    %dma_start3A_353 = tpu.memref_slice %arg14[%dma_start3A_351, %dma_start3A_352] : memref<32x128xf32, #tpu.memory_space<vmem>> -> memref<1x128xf32, #tpu.memory_space<vmem>>
    %dma_start3A_354 = tpu.memref_squeeze %dma_start3A_353 : memref<1x128xf32, #tpu.memory_space<vmem>> -> memref<128xf32, #tpu.memory_space<vmem>>
    %dma_start3A_355 = arith.constant 0 : i32
    %dma_start3A_356 = tpu.memref_slice %arg12[%dma_start3A_350, %dma_start3A_355] : memref<32x128xi32, #tpu.memory_space<vmem>> -> memref<1x128xi32, #tpu.memory_space<vmem>>
    %dma_start3A_357 = tpu.memref_squeeze %dma_start3A_356 : memref<1x128xi32, #tpu.memory_space<vmem>> -> memref<128xi32, #tpu.memory_space<vmem>>
    %dma_start3A_358 = arith.constant 0 : i32
    %dma_start3A_359 = tpu.memref_slice %arg3[%dma_start3A_358] : memref<7999488xf32, #tpu.memory_space<hbm>> -> memref<7999488xf32, #tpu.memory_space<hbm>>
    tpu.enqueue_indirect_dma source(%dma_start3A_359 : memref<7999488xf32, #tpu.memory_space<hbm>>) target(%dma_start3A_354 : memref<128xf32, #tpu.memory_space<vmem>>) offsets(%dma_start3A_357 : memref<128xi32, #tpu.memory_space<vmem>>) semaphore(%arg18 : memref<!tpu.dma_semaphore, #tpu.memory_space<semaphore_mem>>)
    %dma_start3A_360 = arith.constant 20 : i32
    %dma_start3A_361 = arith.constant 20 : i32
    %dma_start3A_362 = arith.constant 0 : i32
    %dma_start3A_363 = tpu.memref_slice %arg14[%dma_start3A_361, %dma_start3A_362] : memref<32x128xf32, #tpu.memory_space<vmem>> -> memref<1x128xf32, #tpu.memory_space<vmem>>
    %dma_start3A_364 = tpu.memref_squeeze %dma_start3A_363 : memref<1x128xf32, #tpu.memory_space<vmem>> -> memref<128xf32, #tpu.memory_space<vmem>>
    %dma_start3A_365 = arith.constant 0 : i32
    %dma_start3A_366 = tpu.memref_slice %arg12[%dma_start3A_360, %dma_start3A_365] : memref<32x128xi32, #tpu.memory_space<vmem>> -> memref<1x128xi32, #tpu.memory_space<vmem>>
    %dma_start3A_367 = tpu.memref_squeeze %dma_start3A_366 : memref<1x128xi32, #tpu.memory_space<vmem>> -> memref<128xi32, #tpu.memory_space<vmem>>
    %dma_start3A_368 = arith.constant 0 : i32
    %dma_start3A_369 = tpu.memref_slice %arg3[%dma_start3A_368] : memref<7999488xf32, #tpu.memory_space<hbm>> -> memref<7999488xf32, #tpu.memory_space<hbm>>
    tpu.enqueue_indirect_dma source(%dma_start3A_369 : memref<7999488xf32, #tpu.memory_space<hbm>>) target(%dma_start3A_364 : memref<128xf32, #tpu.memory_space<vmem>>) offsets(%dma_start3A_367 : memref<128xi32, #tpu.memory_space<vmem>>) semaphore(%arg18 : memref<!tpu.dma_semaphore, #tpu.memory_space<semaphore_mem>>)
    %dma_start3A_370 = arith.constant 21 : i32
    %dma_start3A_371 = arith.constant 21 : i32
    %dma_start3A_372 = arith.constant 0 : i32
    %dma_start3A_373 = tpu.memref_slice %arg14[%dma_start3A_371, %dma_start3A_372] : memref<32x128xf32, #tpu.memory_space<vmem>> -> memref<1x128xf32, #tpu.memory_space<vmem>>
    %dma_start3A_374 = tpu.memref_squeeze %dma_start3A_373 : memref<1x128xf32, #tpu.memory_space<vmem>> -> memref<128xf32, #tpu.memory_space<vmem>>
    %dma_start3A_375 = arith.constant 0 : i32
    %dma_start3A_376 = tpu.memref_slice %arg12[%dma_start3A_370, %dma_start3A_375] : memref<32x128xi32, #tpu.memory_space<vmem>> -> memref<1x128xi32, #tpu.memory_space<vmem>>
    %dma_start3A_377 = tpu.memref_squeeze %dma_start3A_376 : memref<1x128xi32, #tpu.memory_space<vmem>> -> memref<128xi32, #tpu.memory_space<vmem>>
    %dma_start3A_378 = arith.constant 0 : i32
    %dma_start3A_379 = tpu.memref_slice %arg3[%dma_start3A_378] : memref<7999488xf32, #tpu.memory_space<hbm>> -> memref<7999488xf32, #tpu.memory_space<hbm>>
    tpu.enqueue_indirect_dma source(%dma_start3A_379 : memref<7999488xf32, #tpu.memory_space<hbm>>) target(%dma_start3A_374 : memref<128xf32, #tpu.memory_space<vmem>>) offsets(%dma_start3A_377 : memref<128xi32, #tpu.memory_space<vmem>>) semaphore(%arg18 : memref<!tpu.dma_semaphore, #tpu.memory_space<semaphore_mem>>)
    %dma_start3A_380 = arith.constant 22 : i32
    %dma_start3A_381 = arith.constant 22 : i32
    %dma_start3A_382 = arith.constant 0 : i32
    %dma_start3A_383 = tpu.memref_slice %arg14[%dma_start3A_381, %dma_start3A_382] : memref<32x128xf32, #tpu.memory_space<vmem>> -> memref<1x128xf32, #tpu.memory_space<vmem>>
    %dma_start3A_384 = tpu.memref_squeeze %dma_start3A_383 : memref<1x128xf32, #tpu.memory_space<vmem>> -> memref<128xf32, #tpu.memory_space<vmem>>
    %dma_start3A_385 = arith.constant 0 : i32
    %dma_start3A_386 = tpu.memref_slice %arg12[%dma_start3A_380, %dma_start3A_385] : memref<32x128xi32, #tpu.memory_space<vmem>> -> memref<1x128xi32, #tpu.memory_space<vmem>>
    %dma_start3A_387 = tpu.memref_squeeze %dma_start3A_386 : memref<1x128xi32, #tpu.memory_space<vmem>> -> memref<128xi32, #tpu.memory_space<vmem>>
    %dma_start3A_388 = arith.constant 0 : i32
    %dma_start3A_389 = tpu.memref_slice %arg3[%dma_start3A_388] : memref<7999488xf32, #tpu.memory_space<hbm>> -> memref<7999488xf32, #tpu.memory_space<hbm>>
    tpu.enqueue_indirect_dma source(%dma_start3A_389 : memref<7999488xf32, #tpu.memory_space<hbm>>) target(%dma_start3A_384 : memref<128xf32, #tpu.memory_space<vmem>>) offsets(%dma_start3A_387 : memref<128xi32, #tpu.memory_space<vmem>>) semaphore(%arg18 : memref<!tpu.dma_semaphore, #tpu.memory_space<semaphore_mem>>)
    %dma_start3A_390 = arith.constant 23 : i32
    %dma_start3A_391 = arith.constant 23 : i32
    %dma_start3A_392 = arith.constant 0 : i32
    %dma_start3A_393 = tpu.memref_slice %arg14[%dma_start3A_391, %dma_start3A_392] : memref<32x128xf32, #tpu.memory_space<vmem>> -> memref<1x128xf32, #tpu.memory_space<vmem>>
    %dma_start3A_394 = tpu.memref_squeeze %dma_start3A_393 : memref<1x128xf32, #tpu.memory_space<vmem>> -> memref<128xf32, #tpu.memory_space<vmem>>
    %dma_start3A_395 = arith.constant 0 : i32
    %dma_start3A_396 = tpu.memref_slice %arg12[%dma_start3A_390, %dma_start3A_395] : memref<32x128xi32, #tpu.memory_space<vmem>> -> memref<1x128xi32, #tpu.memory_space<vmem>>
    %dma_start3A_397 = tpu.memref_squeeze %dma_start3A_396 : memref<1x128xi32, #tpu.memory_space<vmem>> -> memref<128xi32, #tpu.memory_space<vmem>>
    %dma_start3A_398 = arith.constant 0 : i32
    %dma_start3A_399 = tpu.memref_slice %arg3[%dma_start3A_398] : memref<7999488xf32, #tpu.memory_space<hbm>> -> memref<7999488xf32, #tpu.memory_space<hbm>>
    tpu.enqueue_indirect_dma source(%dma_start3A_399 : memref<7999488xf32, #tpu.memory_space<hbm>>) target(%dma_start3A_394 : memref<128xf32, #tpu.memory_space<vmem>>) offsets(%dma_start3A_397 : memref<128xi32, #tpu.memory_space<vmem>>) semaphore(%arg18 : memref<!tpu.dma_semaphore, #tpu.memory_space<semaphore_mem>>)
    %dma_start3A_400 = arith.constant 24 : i32
    %dma_start3A_401 = arith.constant 24 : i32
    %dma_start3A_402 = arith.constant 0 : i32
    %dma_start3A_403 = tpu.memref_slice %arg14[%dma_start3A_401, %dma_start3A_402] : memref<32x128xf32, #tpu.memory_space<vmem>> -> memref<1x128xf32, #tpu.memory_space<vmem>>
    %dma_start3A_404 = tpu.memref_squeeze %dma_start3A_403 : memref<1x128xf32, #tpu.memory_space<vmem>> -> memref<128xf32, #tpu.memory_space<vmem>>
    %dma_start3A_405 = arith.constant 0 : i32
    %dma_start3A_406 = tpu.memref_slice %arg12[%dma_start3A_400, %dma_start3A_405] : memref<32x128xi32, #tpu.memory_space<vmem>> -> memref<1x128xi32, #tpu.memory_space<vmem>>
    %dma_start3A_407 = tpu.memref_squeeze %dma_start3A_406 : memref<1x128xi32, #tpu.memory_space<vmem>> -> memref<128xi32, #tpu.memory_space<vmem>>
    %dma_start3A_408 = arith.constant 0 : i32
    %dma_start3A_409 = tpu.memref_slice %arg3[%dma_start3A_408] : memref<7999488xf32, #tpu.memory_space<hbm>> -> memref<7999488xf32, #tpu.memory_space<hbm>>
    tpu.enqueue_indirect_dma source(%dma_start3A_409 : memref<7999488xf32, #tpu.memory_space<hbm>>) target(%dma_start3A_404 : memref<128xf32, #tpu.memory_space<vmem>>) offsets(%dma_start3A_407 : memref<128xi32, #tpu.memory_space<vmem>>) semaphore(%arg18 : memref<!tpu.dma_semaphore, #tpu.memory_space<semaphore_mem>>)
    %dma_start3A_410 = arith.constant 25 : i32
    %dma_start3A_411 = arith.constant 25 : i32
    %dma_start3A_412 = arith.constant 0 : i32
    %dma_start3A_413 = tpu.memref_slice %arg14[%dma_start3A_411, %dma_start3A_412] : memref<32x128xf32, #tpu.memory_space<vmem>> -> memref<1x128xf32, #tpu.memory_space<vmem>>
    %dma_start3A_414 = tpu.memref_squeeze %dma_start3A_413 : memref<1x128xf32, #tpu.memory_space<vmem>> -> memref<128xf32, #tpu.memory_space<vmem>>
    %dma_start3A_415 = arith.constant 0 : i32
    %dma_start3A_416 = tpu.memref_slice %arg12[%dma_start3A_410, %dma_start3A_415] : memref<32x128xi32, #tpu.memory_space<vmem>> -> memref<1x128xi32, #tpu.memory_space<vmem>>
    %dma_start3A_417 = tpu.memref_squeeze %dma_start3A_416 : memref<1x128xi32, #tpu.memory_space<vmem>> -> memref<128xi32, #tpu.memory_space<vmem>>
    %dma_start3A_418 = arith.constant 0 : i32
    %dma_start3A_419 = tpu.memref_slice %arg3[%dma_start3A_418] : memref<7999488xf32, #tpu.memory_space<hbm>> -> memref<7999488xf32, #tpu.memory_space<hbm>>
    tpu.enqueue_indirect_dma source(%dma_start3A_419 : memref<7999488xf32, #tpu.memory_space<hbm>>) target(%dma_start3A_414 : memref<128xf32, #tpu.memory_space<vmem>>) offsets(%dma_start3A_417 : memref<128xi32, #tpu.memory_space<vmem>>) semaphore(%arg18 : memref<!tpu.dma_semaphore, #tpu.memory_space<semaphore_mem>>)
    %dma_start3A_420 = arith.constant 26 : i32
    %dma_start3A_421 = arith.constant 26 : i32
    %dma_start3A_422 = arith.constant 0 : i32
    %dma_start3A_423 = tpu.memref_slice %arg14[%dma_start3A_421, %dma_start3A_422] : memref<32x128xf32, #tpu.memory_space<vmem>> -> memref<1x128xf32, #tpu.memory_space<vmem>>
    %dma_start3A_424 = tpu.memref_squeeze %dma_start3A_423 : memref<1x128xf32, #tpu.memory_space<vmem>> -> memref<128xf32, #tpu.memory_space<vmem>>
    %dma_start3A_425 = arith.constant 0 : i32
    %dma_start3A_426 = tpu.memref_slice %arg12[%dma_start3A_420, %dma_start3A_425] : memref<32x128xi32, #tpu.memory_space<vmem>> -> memref<1x128xi32, #tpu.memory_space<vmem>>
    %dma_start3A_427 = tpu.memref_squeeze %dma_start3A_426 : memref<1x128xi32, #tpu.memory_space<vmem>> -> memref<128xi32, #tpu.memory_space<vmem>>
    %dma_start3A_428 = arith.constant 0 : i32
    %dma_start3A_429 = tpu.memref_slice %arg3[%dma_start3A_428] : memref<7999488xf32, #tpu.memory_space<hbm>> -> memref<7999488xf32, #tpu.memory_space<hbm>>
    tpu.enqueue_indirect_dma source(%dma_start3A_429 : memref<7999488xf32, #tpu.memory_space<hbm>>) target(%dma_start3A_424 : memref<128xf32, #tpu.memory_space<vmem>>) offsets(%dma_start3A_427 : memref<128xi32, #tpu.memory_space<vmem>>) semaphore(%arg18 : memref<!tpu.dma_semaphore, #tpu.memory_space<semaphore_mem>>)
    %dma_start3A_430 = arith.constant 27 : i32
    %dma_start3A_431 = arith.constant 27 : i32
    %dma_start3A_432 = arith.constant 0 : i32
    %dma_start3A_433 = tpu.memref_slice %arg14[%dma_start3A_431, %dma_start3A_432] : memref<32x128xf32, #tpu.memory_space<vmem>> -> memref<1x128xf32, #tpu.memory_space<vmem>>
    %dma_start3A_434 = tpu.memref_squeeze %dma_start3A_433 : memref<1x128xf32, #tpu.memory_space<vmem>> -> memref<128xf32, #tpu.memory_space<vmem>>
    %dma_start3A_435 = arith.constant 0 : i32
    %dma_start3A_436 = tpu.memref_slice %arg12[%dma_start3A_430, %dma_start3A_435] : memref<32x128xi32, #tpu.memory_space<vmem>> -> memref<1x128xi32, #tpu.memory_space<vmem>>
    %dma_start3A_437 = tpu.memref_squeeze %dma_start3A_436 : memref<1x128xi32, #tpu.memory_space<vmem>> -> memref<128xi32, #tpu.memory_space<vmem>>
    %dma_start3A_438 = arith.constant 0 : i32
    %dma_start3A_439 = tpu.memref_slice %arg3[%dma_start3A_438] : memref<7999488xf32, #tpu.memory_space<hbm>> -> memref<7999488xf32, #tpu.memory_space<hbm>>
    tpu.enqueue_indirect_dma source(%dma_start3A_439 : memref<7999488xf32, #tpu.memory_space<hbm>>) target(%dma_start3A_434 : memref<128xf32, #tpu.memory_space<vmem>>) offsets(%dma_start3A_437 : memref<128xi32, #tpu.memory_space<vmem>>) semaphore(%arg18 : memref<!tpu.dma_semaphore, #tpu.memory_space<semaphore_mem>>)
    %dma_start3A_440 = arith.constant 28 : i32
    %dma_start3A_441 = arith.constant 28 : i32
    %dma_start3A_442 = arith.constant 0 : i32
    %dma_start3A_443 = tpu.memref_slice %arg14[%dma_start3A_441, %dma_start3A_442] : memref<32x128xf32, #tpu.memory_space<vmem>> -> memref<1x128xf32, #tpu.memory_space<vmem>>
    %dma_start3A_444 = tpu.memref_squeeze %dma_start3A_443 : memref<1x128xf32, #tpu.memory_space<vmem>> -> memref<128xf32, #tpu.memory_space<vmem>>
    %dma_start3A_445 = arith.constant 0 : i32
    %dma_start3A_446 = tpu.memref_slice %arg12[%dma_start3A_440, %dma_start3A_445] : memref<32x128xi32, #tpu.memory_space<vmem>> -> memref<1x128xi32, #tpu.memory_space<vmem>>
    %dma_start3A_447 = tpu.memref_squeeze %dma_start3A_446 : memref<1x128xi32, #tpu.memory_space<vmem>> -> memref<128xi32, #tpu.memory_space<vmem>>
    %dma_start3A_448 = arith.constant 0 : i32
    %dma_start3A_449 = tpu.memref_slice %arg3[%dma_start3A_448] : memref<7999488xf32, #tpu.memory_space<hbm>> -> memref<7999488xf32, #tpu.memory_space<hbm>>
    tpu.enqueue_indirect_dma source(%dma_start3A_449 : memref<7999488xf32, #tpu.memory_space<hbm>>) target(%dma_start3A_444 : memref<128xf32, #tpu.memory_space<vmem>>) offsets(%dma_start3A_447 : memref<128xi32, #tpu.memory_space<vmem>>) semaphore(%arg18 : memref<!tpu.dma_semaphore, #tpu.memory_space<semaphore_mem>>)
    %dma_start3A_450 = arith.constant 29 : i32
    %dma_start3A_451 = arith.constant 29 : i32
    %dma_start3A_452 = arith.constant 0 : i32
    %dma_start3A_453 = tpu.memref_slice %arg14[%dma_start3A_451, %dma_start3A_452] : memref<32x128xf32, #tpu.memory_space<vmem>> -> memref<1x128xf32, #tpu.memory_space<vmem>>
    %dma_start3A_454 = tpu.memref_squeeze %dma_start3A_453 : memref<1x128xf32, #tpu.memory_space<vmem>> -> memref<128xf32, #tpu.memory_space<vmem>>
    %dma_start3A_455 = arith.constant 0 : i32
    %dma_start3A_456 = tpu.memref_slice %arg12[%dma_start3A_450, %dma_start3A_455] : memref<32x128xi32, #tpu.memory_space<vmem>> -> memref<1x128xi32, #tpu.memory_space<vmem>>
    %dma_start3A_457 = tpu.memref_squeeze %dma_start3A_456 : memref<1x128xi32, #tpu.memory_space<vmem>> -> memref<128xi32, #tpu.memory_space<vmem>>
    %dma_start3A_458 = arith.constant 0 : i32
    %dma_start3A_459 = tpu.memref_slice %arg3[%dma_start3A_458] : memref<7999488xf32, #tpu.memory_space<hbm>> -> memref<7999488xf32, #tpu.memory_space<hbm>>
    tpu.enqueue_indirect_dma source(%dma_start3A_459 : memref<7999488xf32, #tpu.memory_space<hbm>>) target(%dma_start3A_454 : memref<128xf32, #tpu.memory_space<vmem>>) offsets(%dma_start3A_457 : memref<128xi32, #tpu.memory_space<vmem>>) semaphore(%arg18 : memref<!tpu.dma_semaphore, #tpu.memory_space<semaphore_mem>>)
    %dma_start3A_460 = arith.constant 30 : i32
    %dma_start3A_461 = arith.constant 30 : i32
    %dma_start3A_462 = arith.constant 0 : i32
    %dma_start3A_463 = tpu.memref_slice %arg14[%dma_start3A_461, %dma_start3A_462] : memref<32x128xf32, #tpu.memory_space<vmem>> -> memref<1x128xf32, #tpu.memory_space<vmem>>
    %dma_start3A_464 = tpu.memref_squeeze %dma_start3A_463 : memref<1x128xf32, #tpu.memory_space<vmem>> -> memref<128xf32, #tpu.memory_space<vmem>>
    %dma_start3A_465 = arith.constant 0 : i32
    %dma_start3A_466 = tpu.memref_slice %arg12[%dma_start3A_460, %dma_start3A_465] : memref<32x128xi32, #tpu.memory_space<vmem>> -> memref<1x128xi32, #tpu.memory_space<vmem>>
    %dma_start3A_467 = tpu.memref_squeeze %dma_start3A_466 : memref<1x128xi32, #tpu.memory_space<vmem>> -> memref<128xi32, #tpu.memory_space<vmem>>
    %dma_start3A_468 = arith.constant 0 : i32
    %dma_start3A_469 = tpu.memref_slice %arg3[%dma_start3A_468] : memref<7999488xf32, #tpu.memory_space<hbm>> -> memref<7999488xf32, #tpu.memory_space<hbm>>
    tpu.enqueue_indirect_dma source(%dma_start3A_469 : memref<7999488xf32, #tpu.memory_space<hbm>>) target(%dma_start3A_464 : memref<128xf32, #tpu.memory_space<vmem>>) offsets(%dma_start3A_467 : memref<128xi32, #tpu.memory_space<vmem>>) semaphore(%arg18 : memref<!tpu.dma_semaphore, #tpu.memory_space<semaphore_mem>>)
    %dma_start3A_470 = arith.constant 31 : i32
    %dma_start3A_471 = arith.constant 31 : i32
    %dma_start3A_472 = arith.constant 0 : i32
    %dma_start3A_473 = tpu.memref_slice %arg14[%dma_start3A_471, %dma_start3A_472] : memref<32x128xf32, #tpu.memory_space<vmem>> -> memref<1x128xf32, #tpu.memory_space<vmem>>
    %dma_start3A_474 = tpu.memref_squeeze %dma_start3A_473 : memref<1x128xf32, #tpu.memory_space<vmem>> -> memref<128xf32, #tpu.memory_space<vmem>>
    %dma_start3A_475 = arith.constant 0 : i32
    %dma_start3A_476 = tpu.memref_slice %arg12[%dma_start3A_470, %dma_start3A_475] : memref<32x128xi32, #tpu.memory_space<vmem>> -> memref<1x128xi32, #tpu.memory_space<vmem>>
    %dma_start3A_477 = tpu.memref_squeeze %dma_start3A_476 : memref<1x128xi32, #tpu.memory_space<vmem>> -> memref<128xi32, #tpu.memory_space<vmem>>
    %dma_start3A_478 = arith.constant 0 : i32
    %dma_start3A_479 = tpu.memref_slice %arg3[%dma_start3A_478] : memref<7999488xf32, #tpu.memory_space<hbm>> -> memref<7999488xf32, #tpu.memory_space<hbm>>
    tpu.enqueue_indirect_dma source(%dma_start3A_479 : memref<7999488xf32, #tpu.memory_space<hbm>>) target(%dma_start3A_474 : memref<128xf32, #tpu.memory_space<vmem>>) offsets(%dma_start3A_477 : memref<128xi32, #tpu.memory_space<vmem>>) semaphore(%arg18 : memref<!tpu.dma_semaphore, #tpu.memory_space<semaphore_mem>>)
    %dma_wait3A = arith.constant 0 : i32
    %dma_wait3A_480 = arith.constant 0 : i32
    %dma_wait3A_481 = arith.constant 0 : i32
    %dma_wait3A_482 = tpu.memref_slice %arg13[%dma_wait3A_480, %dma_wait3A_481] : memref<16x128xf32, #tpu.memory_space<vmem>> -> memref<1x128xf32, #tpu.memory_space<vmem>>
    %dma_wait3A_483 = tpu.memref_squeeze %dma_wait3A_482 : memref<1x128xf32, #tpu.memory_space<vmem>> -> memref<128xf32, #tpu.memory_space<vmem>>
    %dma_wait3A_484 = arith.constant 0 : i32
    %dma_wait3A_485 = tpu.memref_slice %arg11[%dma_wait3A, %dma_wait3A_484] : memref<16x128xi32, #tpu.memory_space<vmem>> -> memref<1x128xi32, #tpu.memory_space<vmem>>
    %dma_wait3A_486 = tpu.memref_squeeze %dma_wait3A_485 : memref<1x128xi32, #tpu.memory_space<vmem>> -> memref<128xi32, #tpu.memory_space<vmem>>
    %dma_wait3A_487 = arith.constant 0 : i32
    %dma_wait3A_488 = tpu.memref_slice %arg2[%dma_wait3A_487] : memref<7999488xf32, #tpu.memory_space<hbm>> -> memref<7999488xf32, #tpu.memory_space<hbm>>
    tpu.wait_indirect_dma semaphore(%arg18 : memref<!tpu.dma_semaphore, #tpu.memory_space<semaphore_mem>>) src(%dma_wait3A_488 : memref<7999488xf32, #tpu.memory_space<hbm>>) dst(%dma_wait3A_483 : memref<128xf32, #tpu.memory_space<vmem>>)
    %dma_wait3A_489 = arith.constant 1 : i32
    %dma_wait3A_490 = arith.constant 1 : i32
    %dma_wait3A_491 = arith.constant 0 : i32
    %dma_wait3A_492 = tpu.memref_slice %arg13[%dma_wait3A_490, %dma_wait3A_491] : memref<16x128xf32, #tpu.memory_space<vmem>> -> memref<1x128xf32, #tpu.memory_space<vmem>>
    %dma_wait3A_493 = tpu.memref_squeeze %dma_wait3A_492 : memref<1x128xf32, #tpu.memory_space<vmem>> -> memref<128xf32, #tpu.memory_space<vmem>>
    %dma_wait3A_494 = arith.constant 0 : i32
    %dma_wait3A_495 = tpu.memref_slice %arg11[%dma_wait3A_489, %dma_wait3A_494] : memref<16x128xi32, #tpu.memory_space<vmem>> -> memref<1x128xi32, #tpu.memory_space<vmem>>
    %dma_wait3A_496 = tpu.memref_squeeze %dma_wait3A_495 : memref<1x128xi32, #tpu.memory_space<vmem>> -> memref<128xi32, #tpu.memory_space<vmem>>
    %dma_wait3A_497 = arith.constant 0 : i32
    %dma_wait3A_498 = tpu.memref_slice %arg2[%dma_wait3A_497] : memref<7999488xf32, #tpu.memory_space<hbm>> -> memref<7999488xf32, #tpu.memory_space<hbm>>
    tpu.wait_indirect_dma semaphore(%arg18 : memref<!tpu.dma_semaphore, #tpu.memory_space<semaphore_mem>>) src(%dma_wait3A_498 : memref<7999488xf32, #tpu.memory_space<hbm>>) dst(%dma_wait3A_493 : memref<128xf32, #tpu.memory_space<vmem>>)
    %dma_wait3A_499 = arith.constant 2 : i32
    %dma_wait3A_500 = arith.constant 2 : i32
    %dma_wait3A_501 = arith.constant 0 : i32
    %dma_wait3A_502 = tpu.memref_slice %arg13[%dma_wait3A_500, %dma_wait3A_501] : memref<16x128xf32, #tpu.memory_space<vmem>> -> memref<1x128xf32, #tpu.memory_space<vmem>>
    %dma_wait3A_503 = tpu.memref_squeeze %dma_wait3A_502 : memref<1x128xf32, #tpu.memory_space<vmem>> -> memref<128xf32, #tpu.memory_space<vmem>>
    %dma_wait3A_504 = arith.constant 0 : i32
    %dma_wait3A_505 = tpu.memref_slice %arg11[%dma_wait3A_499, %dma_wait3A_504] : memref<16x128xi32, #tpu.memory_space<vmem>> -> memref<1x128xi32, #tpu.memory_space<vmem>>
    %dma_wait3A_506 = tpu.memref_squeeze %dma_wait3A_505 : memref<1x128xi32, #tpu.memory_space<vmem>> -> memref<128xi32, #tpu.memory_space<vmem>>
    %dma_wait3A_507 = arith.constant 0 : i32
    %dma_wait3A_508 = tpu.memref_slice %arg2[%dma_wait3A_507] : memref<7999488xf32, #tpu.memory_space<hbm>> -> memref<7999488xf32, #tpu.memory_space<hbm>>
    tpu.wait_indirect_dma semaphore(%arg18 : memref<!tpu.dma_semaphore, #tpu.memory_space<semaphore_mem>>) src(%dma_wait3A_508 : memref<7999488xf32, #tpu.memory_space<hbm>>) dst(%dma_wait3A_503 : memref<128xf32, #tpu.memory_space<vmem>>)
    %dma_wait3A_509 = arith.constant 3 : i32
    %dma_wait3A_510 = arith.constant 3 : i32
    %dma_wait3A_511 = arith.constant 0 : i32
    %dma_wait3A_512 = tpu.memref_slice %arg13[%dma_wait3A_510, %dma_wait3A_511] : memref<16x128xf32, #tpu.memory_space<vmem>> -> memref<1x128xf32, #tpu.memory_space<vmem>>
    %dma_wait3A_513 = tpu.memref_squeeze %dma_wait3A_512 : memref<1x128xf32, #tpu.memory_space<vmem>> -> memref<128xf32, #tpu.memory_space<vmem>>
    %dma_wait3A_514 = arith.constant 0 : i32
    %dma_wait3A_515 = tpu.memref_slice %arg11[%dma_wait3A_509, %dma_wait3A_514] : memref<16x128xi32, #tpu.memory_space<vmem>> -> memref<1x128xi32, #tpu.memory_space<vmem>>
    %dma_wait3A_516 = tpu.memref_squeeze %dma_wait3A_515 : memref<1x128xi32, #tpu.memory_space<vmem>> -> memref<128xi32, #tpu.memory_space<vmem>>
    %dma_wait3A_517 = arith.constant 0 : i32
    %dma_wait3A_518 = tpu.memref_slice %arg2[%dma_wait3A_517] : memref<7999488xf32, #tpu.memory_space<hbm>> -> memref<7999488xf32, #tpu.memory_space<hbm>>
    tpu.wait_indirect_dma semaphore(%arg18 : memref<!tpu.dma_semaphore, #tpu.memory_space<semaphore_mem>>) src(%dma_wait3A_518 : memref<7999488xf32, #tpu.memory_space<hbm>>) dst(%dma_wait3A_513 : memref<128xf32, #tpu.memory_space<vmem>>)
    %dma_wait3A_519 = arith.constant 4 : i32
    %dma_wait3A_520 = arith.constant 4 : i32
    %dma_wait3A_521 = arith.constant 0 : i32
    %dma_wait3A_522 = tpu.memref_slice %arg13[%dma_wait3A_520, %dma_wait3A_521] : memref<16x128xf32, #tpu.memory_space<vmem>> -> memref<1x128xf32, #tpu.memory_space<vmem>>
    %dma_wait3A_523 = tpu.memref_squeeze %dma_wait3A_522 : memref<1x128xf32, #tpu.memory_space<vmem>> -> memref<128xf32, #tpu.memory_space<vmem>>
    %dma_wait3A_524 = arith.constant 0 : i32
    %dma_wait3A_525 = tpu.memref_slice %arg11[%dma_wait3A_519, %dma_wait3A_524] : memref<16x128xi32, #tpu.memory_space<vmem>> -> memref<1x128xi32, #tpu.memory_space<vmem>>
    %dma_wait3A_526 = tpu.memref_squeeze %dma_wait3A_525 : memref<1x128xi32, #tpu.memory_space<vmem>> -> memref<128xi32, #tpu.memory_space<vmem>>
    %dma_wait3A_527 = arith.constant 0 : i32
    %dma_wait3A_528 = tpu.memref_slice %arg2[%dma_wait3A_527] : memref<7999488xf32, #tpu.memory_space<hbm>> -> memref<7999488xf32, #tpu.memory_space<hbm>>
    tpu.wait_indirect_dma semaphore(%arg18 : memref<!tpu.dma_semaphore, #tpu.memory_space<semaphore_mem>>) src(%dma_wait3A_528 : memref<7999488xf32, #tpu.memory_space<hbm>>) dst(%dma_wait3A_523 : memref<128xf32, #tpu.memory_space<vmem>>)
    %dma_wait3A_529 = arith.constant 5 : i32
    %dma_wait3A_530 = arith.constant 5 : i32
    %dma_wait3A_531 = arith.constant 0 : i32
    %dma_wait3A_532 = tpu.memref_slice %arg13[%dma_wait3A_530, %dma_wait3A_531] : memref<16x128xf32, #tpu.memory_space<vmem>> -> memref<1x128xf32, #tpu.memory_space<vmem>>
    %dma_wait3A_533 = tpu.memref_squeeze %dma_wait3A_532 : memref<1x128xf32, #tpu.memory_space<vmem>> -> memref<128xf32, #tpu.memory_space<vmem>>
    %dma_wait3A_534 = arith.constant 0 : i32
    %dma_wait3A_535 = tpu.memref_slice %arg11[%dma_wait3A_529, %dma_wait3A_534] : memref<16x128xi32, #tpu.memory_space<vmem>> -> memref<1x128xi32, #tpu.memory_space<vmem>>
    %dma_wait3A_536 = tpu.memref_squeeze %dma_wait3A_535 : memref<1x128xi32, #tpu.memory_space<vmem>> -> memref<128xi32, #tpu.memory_space<vmem>>
    %dma_wait3A_537 = arith.constant 0 : i32
    %dma_wait3A_538 = tpu.memref_slice %arg2[%dma_wait3A_537] : memref<7999488xf32, #tpu.memory_space<hbm>> -> memref<7999488xf32, #tpu.memory_space<hbm>>
    tpu.wait_indirect_dma semaphore(%arg18 : memref<!tpu.dma_semaphore, #tpu.memory_space<semaphore_mem>>) src(%dma_wait3A_538 : memref<7999488xf32, #tpu.memory_space<hbm>>) dst(%dma_wait3A_533 : memref<128xf32, #tpu.memory_space<vmem>>)
    %dma_wait3A_539 = arith.constant 6 : i32
    %dma_wait3A_540 = arith.constant 6 : i32
    %dma_wait3A_541 = arith.constant 0 : i32
    %dma_wait3A_542 = tpu.memref_slice %arg13[%dma_wait3A_540, %dma_wait3A_541] : memref<16x128xf32, #tpu.memory_space<vmem>> -> memref<1x128xf32, #tpu.memory_space<vmem>>
    %dma_wait3A_543 = tpu.memref_squeeze %dma_wait3A_542 : memref<1x128xf32, #tpu.memory_space<vmem>> -> memref<128xf32, #tpu.memory_space<vmem>>
    %dma_wait3A_544 = arith.constant 0 : i32
    %dma_wait3A_545 = tpu.memref_slice %arg11[%dma_wait3A_539, %dma_wait3A_544] : memref<16x128xi32, #tpu.memory_space<vmem>> -> memref<1x128xi32, #tpu.memory_space<vmem>>
    %dma_wait3A_546 = tpu.memref_squeeze %dma_wait3A_545 : memref<1x128xi32, #tpu.memory_space<vmem>> -> memref<128xi32, #tpu.memory_space<vmem>>
    %dma_wait3A_547 = arith.constant 0 : i32
    %dma_wait3A_548 = tpu.memref_slice %arg2[%dma_wait3A_547] : memref<7999488xf32, #tpu.memory_space<hbm>> -> memref<7999488xf32, #tpu.memory_space<hbm>>
    tpu.wait_indirect_dma semaphore(%arg18 : memref<!tpu.dma_semaphore, #tpu.memory_space<semaphore_mem>>) src(%dma_wait3A_548 : memref<7999488xf32, #tpu.memory_space<hbm>>) dst(%dma_wait3A_543 : memref<128xf32, #tpu.memory_space<vmem>>)
    %dma_wait3A_549 = arith.constant 7 : i32
    %dma_wait3A_550 = arith.constant 7 : i32
    %dma_wait3A_551 = arith.constant 0 : i32
    %dma_wait3A_552 = tpu.memref_slice %arg13[%dma_wait3A_550, %dma_wait3A_551] : memref<16x128xf32, #tpu.memory_space<vmem>> -> memref<1x128xf32, #tpu.memory_space<vmem>>
    %dma_wait3A_553 = tpu.memref_squeeze %dma_wait3A_552 : memref<1x128xf32, #tpu.memory_space<vmem>> -> memref<128xf32, #tpu.memory_space<vmem>>
    %dma_wait3A_554 = arith.constant 0 : i32
    %dma_wait3A_555 = tpu.memref_slice %arg11[%dma_wait3A_549, %dma_wait3A_554] : memref<16x128xi32, #tpu.memory_space<vmem>> -> memref<1x128xi32, #tpu.memory_space<vmem>>
    %dma_wait3A_556 = tpu.memref_squeeze %dma_wait3A_555 : memref<1x128xi32, #tpu.memory_space<vmem>> -> memref<128xi32, #tpu.memory_space<vmem>>
    %dma_wait3A_557 = arith.constant 0 : i32
    %dma_wait3A_558 = tpu.memref_slice %arg2[%dma_wait3A_557] : memref<7999488xf32, #tpu.memory_space<hbm>> -> memref<7999488xf32, #tpu.memory_space<hbm>>
    tpu.wait_indirect_dma semaphore(%arg18 : memref<!tpu.dma_semaphore, #tpu.memory_space<semaphore_mem>>) src(%dma_wait3A_558 : memref<7999488xf32, #tpu.memory_space<hbm>>) dst(%dma_wait3A_553 : memref<128xf32, #tpu.memory_space<vmem>>)
    %dma_wait3A_559 = arith.constant 8 : i32
    %dma_wait3A_560 = arith.constant 8 : i32
    %dma_wait3A_561 = arith.constant 0 : i32
    %dma_wait3A_562 = tpu.memref_slice %arg13[%dma_wait3A_560, %dma_wait3A_561] : memref<16x128xf32, #tpu.memory_space<vmem>> -> memref<1x128xf32, #tpu.memory_space<vmem>>
    %dma_wait3A_563 = tpu.memref_squeeze %dma_wait3A_562 : memref<1x128xf32, #tpu.memory_space<vmem>> -> memref<128xf32, #tpu.memory_space<vmem>>
    %dma_wait3A_564 = arith.constant 0 : i32
    %dma_wait3A_565 = tpu.memref_slice %arg11[%dma_wait3A_559, %dma_wait3A_564] : memref<16x128xi32, #tpu.memory_space<vmem>> -> memref<1x128xi32, #tpu.memory_space<vmem>>
    %dma_wait3A_566 = tpu.memref_squeeze %dma_wait3A_565 : memref<1x128xi32, #tpu.memory_space<vmem>> -> memref<128xi32, #tpu.memory_space<vmem>>
    %dma_wait3A_567 = arith.constant 0 : i32
    %dma_wait3A_568 = tpu.memref_slice %arg2[%dma_wait3A_567] : memref<7999488xf32, #tpu.memory_space<hbm>> -> memref<7999488xf32, #tpu.memory_space<hbm>>
    tpu.wait_indirect_dma semaphore(%arg18 : memref<!tpu.dma_semaphore, #tpu.memory_space<semaphore_mem>>) src(%dma_wait3A_568 : memref<7999488xf32, #tpu.memory_space<hbm>>) dst(%dma_wait3A_563 : memref<128xf32, #tpu.memory_space<vmem>>)
    %dma_wait3A_569 = arith.constant 9 : i32
    %dma_wait3A_570 = arith.constant 9 : i32
    %dma_wait3A_571 = arith.constant 0 : i32
    %dma_wait3A_572 = tpu.memref_slice %arg13[%dma_wait3A_570, %dma_wait3A_571] : memref<16x128xf32, #tpu.memory_space<vmem>> -> memref<1x128xf32, #tpu.memory_space<vmem>>
    %dma_wait3A_573 = tpu.memref_squeeze %dma_wait3A_572 : memref<1x128xf32, #tpu.memory_space<vmem>> -> memref<128xf32, #tpu.memory_space<vmem>>
    %dma_wait3A_574 = arith.constant 0 : i32
    %dma_wait3A_575 = tpu.memref_slice %arg11[%dma_wait3A_569, %dma_wait3A_574] : memref<16x128xi32, #tpu.memory_space<vmem>> -> memref<1x128xi32, #tpu.memory_space<vmem>>
    %dma_wait3A_576 = tpu.memref_squeeze %dma_wait3A_575 : memref<1x128xi32, #tpu.memory_space<vmem>> -> memref<128xi32, #tpu.memory_space<vmem>>
    %dma_wait3A_577 = arith.constant 0 : i32
    %dma_wait3A_578 = tpu.memref_slice %arg2[%dma_wait3A_577] : memref<7999488xf32, #tpu.memory_space<hbm>> -> memref<7999488xf32, #tpu.memory_space<hbm>>
    tpu.wait_indirect_dma semaphore(%arg18 : memref<!tpu.dma_semaphore, #tpu.memory_space<semaphore_mem>>) src(%dma_wait3A_578 : memref<7999488xf32, #tpu.memory_space<hbm>>) dst(%dma_wait3A_573 : memref<128xf32, #tpu.memory_space<vmem>>)
    %dma_wait3A_579 = arith.constant 10 : i32
    %dma_wait3A_580 = arith.constant 10 : i32
    %dma_wait3A_581 = arith.constant 0 : i32
    %dma_wait3A_582 = tpu.memref_slice %arg13[%dma_wait3A_580, %dma_wait3A_581] : memref<16x128xf32, #tpu.memory_space<vmem>> -> memref<1x128xf32, #tpu.memory_space<vmem>>
    %dma_wait3A_583 = tpu.memref_squeeze %dma_wait3A_582 : memref<1x128xf32, #tpu.memory_space<vmem>> -> memref<128xf32, #tpu.memory_space<vmem>>
    %dma_wait3A_584 = arith.constant 0 : i32
    %dma_wait3A_585 = tpu.memref_slice %arg11[%dma_wait3A_579, %dma_wait3A_584] : memref<16x128xi32, #tpu.memory_space<vmem>> -> memref<1x128xi32, #tpu.memory_space<vmem>>
    %dma_wait3A_586 = tpu.memref_squeeze %dma_wait3A_585 : memref<1x128xi32, #tpu.memory_space<vmem>> -> memref<128xi32, #tpu.memory_space<vmem>>
    %dma_wait3A_587 = arith.constant 0 : i32
    %dma_wait3A_588 = tpu.memref_slice %arg2[%dma_wait3A_587] : memref<7999488xf32, #tpu.memory_space<hbm>> -> memref<7999488xf32, #tpu.memory_space<hbm>>
    tpu.wait_indirect_dma semaphore(%arg18 : memref<!tpu.dma_semaphore, #tpu.memory_space<semaphore_mem>>) src(%dma_wait3A_588 : memref<7999488xf32, #tpu.memory_space<hbm>>) dst(%dma_wait3A_583 : memref<128xf32, #tpu.memory_space<vmem>>)
    %dma_wait3A_589 = arith.constant 11 : i32
    %dma_wait3A_590 = arith.constant 11 : i32
    %dma_wait3A_591 = arith.constant 0 : i32
    %dma_wait3A_592 = tpu.memref_slice %arg13[%dma_wait3A_590, %dma_wait3A_591] : memref<16x128xf32, #tpu.memory_space<vmem>> -> memref<1x128xf32, #tpu.memory_space<vmem>>
    %dma_wait3A_593 = tpu.memref_squeeze %dma_wait3A_592 : memref<1x128xf32, #tpu.memory_space<vmem>> -> memref<128xf32, #tpu.memory_space<vmem>>
    %dma_wait3A_594 = arith.constant 0 : i32
    %dma_wait3A_595 = tpu.memref_slice %arg11[%dma_wait3A_589, %dma_wait3A_594] : memref<16x128xi32, #tpu.memory_space<vmem>> -> memref<1x128xi32, #tpu.memory_space<vmem>>
    %dma_wait3A_596 = tpu.memref_squeeze %dma_wait3A_595 : memref<1x128xi32, #tpu.memory_space<vmem>> -> memref<128xi32, #tpu.memory_space<vmem>>
    %dma_wait3A_597 = arith.constant 0 : i32
    %dma_wait3A_598 = tpu.memref_slice %arg2[%dma_wait3A_597] : memref<7999488xf32, #tpu.memory_space<hbm>> -> memref<7999488xf32, #tpu.memory_space<hbm>>
    tpu.wait_indirect_dma semaphore(%arg18 : memref<!tpu.dma_semaphore, #tpu.memory_space<semaphore_mem>>) src(%dma_wait3A_598 : memref<7999488xf32, #tpu.memory_space<hbm>>) dst(%dma_wait3A_593 : memref<128xf32, #tpu.memory_space<vmem>>)
    %dma_wait3A_599 = arith.constant 12 : i32
    %dma_wait3A_600 = arith.constant 12 : i32
    %dma_wait3A_601 = arith.constant 0 : i32
    %dma_wait3A_602 = tpu.memref_slice %arg13[%dma_wait3A_600, %dma_wait3A_601] : memref<16x128xf32, #tpu.memory_space<vmem>> -> memref<1x128xf32, #tpu.memory_space<vmem>>
    %dma_wait3A_603 = tpu.memref_squeeze %dma_wait3A_602 : memref<1x128xf32, #tpu.memory_space<vmem>> -> memref<128xf32, #tpu.memory_space<vmem>>
    %dma_wait3A_604 = arith.constant 0 : i32
    %dma_wait3A_605 = tpu.memref_slice %arg11[%dma_wait3A_599, %dma_wait3A_604] : memref<16x128xi32, #tpu.memory_space<vmem>> -> memref<1x128xi32, #tpu.memory_space<vmem>>
    %dma_wait3A_606 = tpu.memref_squeeze %dma_wait3A_605 : memref<1x128xi32, #tpu.memory_space<vmem>> -> memref<128xi32, #tpu.memory_space<vmem>>
    %dma_wait3A_607 = arith.constant 0 : i32
    %dma_wait3A_608 = tpu.memref_slice %arg2[%dma_wait3A_607] : memref<7999488xf32, #tpu.memory_space<hbm>> -> memref<7999488xf32, #tpu.memory_space<hbm>>
    tpu.wait_indirect_dma semaphore(%arg18 : memref<!tpu.dma_semaphore, #tpu.memory_space<semaphore_mem>>) src(%dma_wait3A_608 : memref<7999488xf32, #tpu.memory_space<hbm>>) dst(%dma_wait3A_603 : memref<128xf32, #tpu.memory_space<vmem>>)
    %dma_wait3A_609 = arith.constant 13 : i32
    %dma_wait3A_610 = arith.constant 13 : i32
    %dma_wait3A_611 = arith.constant 0 : i32
    %dma_wait3A_612 = tpu.memref_slice %arg13[%dma_wait3A_610, %dma_wait3A_611] : memref<16x128xf32, #tpu.memory_space<vmem>> -> memref<1x128xf32, #tpu.memory_space<vmem>>
    %dma_wait3A_613 = tpu.memref_squeeze %dma_wait3A_612 : memref<1x128xf32, #tpu.memory_space<vmem>> -> memref<128xf32, #tpu.memory_space<vmem>>
    %dma_wait3A_614 = arith.constant 0 : i32
    %dma_wait3A_615 = tpu.memref_slice %arg11[%dma_wait3A_609, %dma_wait3A_614] : memref<16x128xi32, #tpu.memory_space<vmem>> -> memref<1x128xi32, #tpu.memory_space<vmem>>
    %dma_wait3A_616 = tpu.memref_squeeze %dma_wait3A_615 : memref<1x128xi32, #tpu.memory_space<vmem>> -> memref<128xi32, #tpu.memory_space<vmem>>
    %dma_wait3A_617 = arith.constant 0 : i32
    %dma_wait3A_618 = tpu.memref_slice %arg2[%dma_wait3A_617] : memref<7999488xf32, #tpu.memory_space<hbm>> -> memref<7999488xf32, #tpu.memory_space<hbm>>
    tpu.wait_indirect_dma semaphore(%arg18 : memref<!tpu.dma_semaphore, #tpu.memory_space<semaphore_mem>>) src(%dma_wait3A_618 : memref<7999488xf32, #tpu.memory_space<hbm>>) dst(%dma_wait3A_613 : memref<128xf32, #tpu.memory_space<vmem>>)
    %dma_wait3A_619 = arith.constant 14 : i32
    %dma_wait3A_620 = arith.constant 14 : i32
    %dma_wait3A_621 = arith.constant 0 : i32
    %dma_wait3A_622 = tpu.memref_slice %arg13[%dma_wait3A_620, %dma_wait3A_621] : memref<16x128xf32, #tpu.memory_space<vmem>> -> memref<1x128xf32, #tpu.memory_space<vmem>>
    %dma_wait3A_623 = tpu.memref_squeeze %dma_wait3A_622 : memref<1x128xf32, #tpu.memory_space<vmem>> -> memref<128xf32, #tpu.memory_space<vmem>>
    %dma_wait3A_624 = arith.constant 0 : i32
    %dma_wait3A_625 = tpu.memref_slice %arg11[%dma_wait3A_619, %dma_wait3A_624] : memref<16x128xi32, #tpu.memory_space<vmem>> -> memref<1x128xi32, #tpu.memory_space<vmem>>
    %dma_wait3A_626 = tpu.memref_squeeze %dma_wait3A_625 : memref<1x128xi32, #tpu.memory_space<vmem>> -> memref<128xi32, #tpu.memory_space<vmem>>
    %dma_wait3A_627 = arith.constant 0 : i32
    %dma_wait3A_628 = tpu.memref_slice %arg2[%dma_wait3A_627] : memref<7999488xf32, #tpu.memory_space<hbm>> -> memref<7999488xf32, #tpu.memory_space<hbm>>
    tpu.wait_indirect_dma semaphore(%arg18 : memref<!tpu.dma_semaphore, #tpu.memory_space<semaphore_mem>>) src(%dma_wait3A_628 : memref<7999488xf32, #tpu.memory_space<hbm>>) dst(%dma_wait3A_623 : memref<128xf32, #tpu.memory_space<vmem>>)
    %dma_wait3A_629 = arith.constant 15 : i32
    %dma_wait3A_630 = arith.constant 15 : i32
    %dma_wait3A_631 = arith.constant 0 : i32
    %dma_wait3A_632 = tpu.memref_slice %arg13[%dma_wait3A_630, %dma_wait3A_631] : memref<16x128xf32, #tpu.memory_space<vmem>> -> memref<1x128xf32, #tpu.memory_space<vmem>>
    %dma_wait3A_633 = tpu.memref_squeeze %dma_wait3A_632 : memref<1x128xf32, #tpu.memory_space<vmem>> -> memref<128xf32, #tpu.memory_space<vmem>>
    %dma_wait3A_634 = arith.constant 0 : i32
    %dma_wait3A_635 = tpu.memref_slice %arg11[%dma_wait3A_629, %dma_wait3A_634] : memref<16x128xi32, #tpu.memory_space<vmem>> -> memref<1x128xi32, #tpu.memory_space<vmem>>
    %dma_wait3A_636 = tpu.memref_squeeze %dma_wait3A_635 : memref<1x128xi32, #tpu.memory_space<vmem>> -> memref<128xi32, #tpu.memory_space<vmem>>
    %dma_wait3A_637 = arith.constant 0 : i32
    %dma_wait3A_638 = tpu.memref_slice %arg2[%dma_wait3A_637] : memref<7999488xf32, #tpu.memory_space<hbm>> -> memref<7999488xf32, #tpu.memory_space<hbm>>
    tpu.wait_indirect_dma semaphore(%arg18 : memref<!tpu.dma_semaphore, #tpu.memory_space<semaphore_mem>>) src(%dma_wait3A_638 : memref<7999488xf32, #tpu.memory_space<hbm>>) dst(%dma_wait3A_633 : memref<128xf32, #tpu.memory_space<vmem>>)
    %dma_wait3A_639 = arith.constant 0 : i32
    %dma_wait3A_640 = arith.constant 0 : i32
    %dma_wait3A_641 = arith.constant 0 : i32
    %dma_wait3A_642 = tpu.memref_slice %arg14[%dma_wait3A_640, %dma_wait3A_641] : memref<32x128xf32, #tpu.memory_space<vmem>> -> memref<1x128xf32, #tpu.memory_space<vmem>>
    %dma_wait3A_643 = tpu.memref_squeeze %dma_wait3A_642 : memref<1x128xf32, #tpu.memory_space<vmem>> -> memref<128xf32, #tpu.memory_space<vmem>>
    %dma_wait3A_644 = arith.constant 0 : i32
    %dma_wait3A_645 = tpu.memref_slice %arg12[%dma_wait3A_639, %dma_wait3A_644] : memref<32x128xi32, #tpu.memory_space<vmem>> -> memref<1x128xi32, #tpu.memory_space<vmem>>
    %dma_wait3A_646 = tpu.memref_squeeze %dma_wait3A_645 : memref<1x128xi32, #tpu.memory_space<vmem>> -> memref<128xi32, #tpu.memory_space<vmem>>
    %dma_wait3A_647 = arith.constant 0 : i32
    %dma_wait3A_648 = tpu.memref_slice %arg3[%dma_wait3A_647] : memref<7999488xf32, #tpu.memory_space<hbm>> -> memref<7999488xf32, #tpu.memory_space<hbm>>
    tpu.wait_indirect_dma semaphore(%arg18 : memref<!tpu.dma_semaphore, #tpu.memory_space<semaphore_mem>>) src(%dma_wait3A_648 : memref<7999488xf32, #tpu.memory_space<hbm>>) dst(%dma_wait3A_643 : memref<128xf32, #tpu.memory_space<vmem>>)
    %dma_wait3A_649 = arith.constant 1 : i32
    %dma_wait3A_650 = arith.constant 1 : i32
    %dma_wait3A_651 = arith.constant 0 : i32
    %dma_wait3A_652 = tpu.memref_slice %arg14[%dma_wait3A_650, %dma_wait3A_651] : memref<32x128xf32, #tpu.memory_space<vmem>> -> memref<1x128xf32, #tpu.memory_space<vmem>>
    %dma_wait3A_653 = tpu.memref_squeeze %dma_wait3A_652 : memref<1x128xf32, #tpu.memory_space<vmem>> -> memref<128xf32, #tpu.memory_space<vmem>>
    %dma_wait3A_654 = arith.constant 0 : i32
    %dma_wait3A_655 = tpu.memref_slice %arg12[%dma_wait3A_649, %dma_wait3A_654] : memref<32x128xi32, #tpu.memory_space<vmem>> -> memref<1x128xi32, #tpu.memory_space<vmem>>
    %dma_wait3A_656 = tpu.memref_squeeze %dma_wait3A_655 : memref<1x128xi32, #tpu.memory_space<vmem>> -> memref<128xi32, #tpu.memory_space<vmem>>
    %dma_wait3A_657 = arith.constant 0 : i32
    %dma_wait3A_658 = tpu.memref_slice %arg3[%dma_wait3A_657] : memref<7999488xf32, #tpu.memory_space<hbm>> -> memref<7999488xf32, #tpu.memory_space<hbm>>
    tpu.wait_indirect_dma semaphore(%arg18 : memref<!tpu.dma_semaphore, #tpu.memory_space<semaphore_mem>>) src(%dma_wait3A_658 : memref<7999488xf32, #tpu.memory_space<hbm>>) dst(%dma_wait3A_653 : memref<128xf32, #tpu.memory_space<vmem>>)
    %dma_wait3A_659 = arith.constant 2 : i32
    %dma_wait3A_660 = arith.constant 2 : i32
    %dma_wait3A_661 = arith.constant 0 : i32
    %dma_wait3A_662 = tpu.memref_slice %arg14[%dma_wait3A_660, %dma_wait3A_661] : memref<32x128xf32, #tpu.memory_space<vmem>> -> memref<1x128xf32, #tpu.memory_space<vmem>>
    %dma_wait3A_663 = tpu.memref_squeeze %dma_wait3A_662 : memref<1x128xf32, #tpu.memory_space<vmem>> -> memref<128xf32, #tpu.memory_space<vmem>>
    %dma_wait3A_664 = arith.constant 0 : i32
    %dma_wait3A_665 = tpu.memref_slice %arg12[%dma_wait3A_659, %dma_wait3A_664] : memref<32x128xi32, #tpu.memory_space<vmem>> -> memref<1x128xi32, #tpu.memory_space<vmem>>
    %dma_wait3A_666 = tpu.memref_squeeze %dma_wait3A_665 : memref<1x128xi32, #tpu.memory_space<vmem>> -> memref<128xi32, #tpu.memory_space<vmem>>
    %dma_wait3A_667 = arith.constant 0 : i32
    %dma_wait3A_668 = tpu.memref_slice %arg3[%dma_wait3A_667] : memref<7999488xf32, #tpu.memory_space<hbm>> -> memref<7999488xf32, #tpu.memory_space<hbm>>
    tpu.wait_indirect_dma semaphore(%arg18 : memref<!tpu.dma_semaphore, #tpu.memory_space<semaphore_mem>>) src(%dma_wait3A_668 : memref<7999488xf32, #tpu.memory_space<hbm>>) dst(%dma_wait3A_663 : memref<128xf32, #tpu.memory_space<vmem>>)
    %dma_wait3A_669 = arith.constant 3 : i32
    %dma_wait3A_670 = arith.constant 3 : i32
    %dma_wait3A_671 = arith.constant 0 : i32
    %dma_wait3A_672 = tpu.memref_slice %arg14[%dma_wait3A_670, %dma_wait3A_671] : memref<32x128xf32, #tpu.memory_space<vmem>> -> memref<1x128xf32, #tpu.memory_space<vmem>>
    %dma_wait3A_673 = tpu.memref_squeeze %dma_wait3A_672 : memref<1x128xf32, #tpu.memory_space<vmem>> -> memref<128xf32, #tpu.memory_space<vmem>>
    %dma_wait3A_674 = arith.constant 0 : i32
    %dma_wait3A_675 = tpu.memref_slice %arg12[%dma_wait3A_669, %dma_wait3A_674] : memref<32x128xi32, #tpu.memory_space<vmem>> -> memref<1x128xi32, #tpu.memory_space<vmem>>
    %dma_wait3A_676 = tpu.memref_squeeze %dma_wait3A_675 : memref<1x128xi32, #tpu.memory_space<vmem>> -> memref<128xi32, #tpu.memory_space<vmem>>
    %dma_wait3A_677 = arith.constant 0 : i32
    %dma_wait3A_678 = tpu.memref_slice %arg3[%dma_wait3A_677] : memref<7999488xf32, #tpu.memory_space<hbm>> -> memref<7999488xf32, #tpu.memory_space<hbm>>
    tpu.wait_indirect_dma semaphore(%arg18 : memref<!tpu.dma_semaphore, #tpu.memory_space<semaphore_mem>>) src(%dma_wait3A_678 : memref<7999488xf32, #tpu.memory_space<hbm>>) dst(%dma_wait3A_673 : memref<128xf32, #tpu.memory_space<vmem>>)
    %dma_wait3A_679 = arith.constant 4 : i32
    %dma_wait3A_680 = arith.constant 4 : i32
    %dma_wait3A_681 = arith.constant 0 : i32
    %dma_wait3A_682 = tpu.memref_slice %arg14[%dma_wait3A_680, %dma_wait3A_681] : memref<32x128xf32, #tpu.memory_space<vmem>> -> memref<1x128xf32, #tpu.memory_space<vmem>>
    %dma_wait3A_683 = tpu.memref_squeeze %dma_wait3A_682 : memref<1x128xf32, #tpu.memory_space<vmem>> -> memref<128xf32, #tpu.memory_space<vmem>>
    %dma_wait3A_684 = arith.constant 0 : i32
    %dma_wait3A_685 = tpu.memref_slice %arg12[%dma_wait3A_679, %dma_wait3A_684] : memref<32x128xi32, #tpu.memory_space<vmem>> -> memref<1x128xi32, #tpu.memory_space<vmem>>
    %dma_wait3A_686 = tpu.memref_squeeze %dma_wait3A_685 : memref<1x128xi32, #tpu.memory_space<vmem>> -> memref<128xi32, #tpu.memory_space<vmem>>
    %dma_wait3A_687 = arith.constant 0 : i32
    %dma_wait3A_688 = tpu.memref_slice %arg3[%dma_wait3A_687] : memref<7999488xf32, #tpu.memory_space<hbm>> -> memref<7999488xf32, #tpu.memory_space<hbm>>
    tpu.wait_indirect_dma semaphore(%arg18 : memref<!tpu.dma_semaphore, #tpu.memory_space<semaphore_mem>>) src(%dma_wait3A_688 : memref<7999488xf32, #tpu.memory_space<hbm>>) dst(%dma_wait3A_683 : memref<128xf32, #tpu.memory_space<vmem>>)
    %dma_wait3A_689 = arith.constant 5 : i32
    %dma_wait3A_690 = arith.constant 5 : i32
    %dma_wait3A_691 = arith.constant 0 : i32
    %dma_wait3A_692 = tpu.memref_slice %arg14[%dma_wait3A_690, %dma_wait3A_691] : memref<32x128xf32, #tpu.memory_space<vmem>> -> memref<1x128xf32, #tpu.memory_space<vmem>>
    %dma_wait3A_693 = tpu.memref_squeeze %dma_wait3A_692 : memref<1x128xf32, #tpu.memory_space<vmem>> -> memref<128xf32, #tpu.memory_space<vmem>>
    %dma_wait3A_694 = arith.constant 0 : i32
    %dma_wait3A_695 = tpu.memref_slice %arg12[%dma_wait3A_689, %dma_wait3A_694] : memref<32x128xi32, #tpu.memory_space<vmem>> -> memref<1x128xi32, #tpu.memory_space<vmem>>
    %dma_wait3A_696 = tpu.memref_squeeze %dma_wait3A_695 : memref<1x128xi32, #tpu.memory_space<vmem>> -> memref<128xi32, #tpu.memory_space<vmem>>
    %dma_wait3A_697 = arith.constant 0 : i32
    %dma_wait3A_698 = tpu.memref_slice %arg3[%dma_wait3A_697] : memref<7999488xf32, #tpu.memory_space<hbm>> -> memref<7999488xf32, #tpu.memory_space<hbm>>
    tpu.wait_indirect_dma semaphore(%arg18 : memref<!tpu.dma_semaphore, #tpu.memory_space<semaphore_mem>>) src(%dma_wait3A_698 : memref<7999488xf32, #tpu.memory_space<hbm>>) dst(%dma_wait3A_693 : memref<128xf32, #tpu.memory_space<vmem>>)
    %dma_wait3A_699 = arith.constant 6 : i32
    %dma_wait3A_700 = arith.constant 6 : i32
    %dma_wait3A_701 = arith.constant 0 : i32
    %dma_wait3A_702 = tpu.memref_slice %arg14[%dma_wait3A_700, %dma_wait3A_701] : memref<32x128xf32, #tpu.memory_space<vmem>> -> memref<1x128xf32, #tpu.memory_space<vmem>>
    %dma_wait3A_703 = tpu.memref_squeeze %dma_wait3A_702 : memref<1x128xf32, #tpu.memory_space<vmem>> -> memref<128xf32, #tpu.memory_space<vmem>>
    %dma_wait3A_704 = arith.constant 0 : i32
    %dma_wait3A_705 = tpu.memref_slice %arg12[%dma_wait3A_699, %dma_wait3A_704] : memref<32x128xi32, #tpu.memory_space<vmem>> -> memref<1x128xi32, #tpu.memory_space<vmem>>
    %dma_wait3A_706 = tpu.memref_squeeze %dma_wait3A_705 : memref<1x128xi32, #tpu.memory_space<vmem>> -> memref<128xi32, #tpu.memory_space<vmem>>
    %dma_wait3A_707 = arith.constant 0 : i32
    %dma_wait3A_708 = tpu.memref_slice %arg3[%dma_wait3A_707] : memref<7999488xf32, #tpu.memory_space<hbm>> -> memref<7999488xf32, #tpu.memory_space<hbm>>
    tpu.wait_indirect_dma semaphore(%arg18 : memref<!tpu.dma_semaphore, #tpu.memory_space<semaphore_mem>>) src(%dma_wait3A_708 : memref<7999488xf32, #tpu.memory_space<hbm>>) dst(%dma_wait3A_703 : memref<128xf32, #tpu.memory_space<vmem>>)
    %dma_wait3A_709 = arith.constant 7 : i32
    %dma_wait3A_710 = arith.constant 7 : i32
    %dma_wait3A_711 = arith.constant 0 : i32
    %dma_wait3A_712 = tpu.memref_slice %arg14[%dma_wait3A_710, %dma_wait3A_711] : memref<32x128xf32, #tpu.memory_space<vmem>> -> memref<1x128xf32, #tpu.memory_space<vmem>>
    %dma_wait3A_713 = tpu.memref_squeeze %dma_wait3A_712 : memref<1x128xf32, #tpu.memory_space<vmem>> -> memref<128xf32, #tpu.memory_space<vmem>>
    %dma_wait3A_714 = arith.constant 0 : i32
    %dma_wait3A_715 = tpu.memref_slice %arg12[%dma_wait3A_709, %dma_wait3A_714] : memref<32x128xi32, #tpu.memory_space<vmem>> -> memref<1x128xi32, #tpu.memory_space<vmem>>
    %dma_wait3A_716 = tpu.memref_squeeze %dma_wait3A_715 : memref<1x128xi32, #tpu.memory_space<vmem>> -> memref<128xi32, #tpu.memory_space<vmem>>
    %dma_wait3A_717 = arith.constant 0 : i32
    %dma_wait3A_718 = tpu.memref_slice %arg3[%dma_wait3A_717] : memref<7999488xf32, #tpu.memory_space<hbm>> -> memref<7999488xf32, #tpu.memory_space<hbm>>
    tpu.wait_indirect_dma semaphore(%arg18 : memref<!tpu.dma_semaphore, #tpu.memory_space<semaphore_mem>>) src(%dma_wait3A_718 : memref<7999488xf32, #tpu.memory_space<hbm>>) dst(%dma_wait3A_713 : memref<128xf32, #tpu.memory_space<vmem>>)
    %dma_wait3A_719 = arith.constant 8 : i32
    %dma_wait3A_720 = arith.constant 8 : i32
    %dma_wait3A_721 = arith.constant 0 : i32
    %dma_wait3A_722 = tpu.memref_slice %arg14[%dma_wait3A_720, %dma_wait3A_721] : memref<32x128xf32, #tpu.memory_space<vmem>> -> memref<1x128xf32, #tpu.memory_space<vmem>>
    %dma_wait3A_723 = tpu.memref_squeeze %dma_wait3A_722 : memref<1x128xf32, #tpu.memory_space<vmem>> -> memref<128xf32, #tpu.memory_space<vmem>>
    %dma_wait3A_724 = arith.constant 0 : i32
    %dma_wait3A_725 = tpu.memref_slice %arg12[%dma_wait3A_719, %dma_wait3A_724] : memref<32x128xi32, #tpu.memory_space<vmem>> -> memref<1x128xi32, #tpu.memory_space<vmem>>
    %dma_wait3A_726 = tpu.memref_squeeze %dma_wait3A_725 : memref<1x128xi32, #tpu.memory_space<vmem>> -> memref<128xi32, #tpu.memory_space<vmem>>
    %dma_wait3A_727 = arith.constant 0 : i32
    %dma_wait3A_728 = tpu.memref_slice %arg3[%dma_wait3A_727] : memref<7999488xf32, #tpu.memory_space<hbm>> -> memref<7999488xf32, #tpu.memory_space<hbm>>
    tpu.wait_indirect_dma semaphore(%arg18 : memref<!tpu.dma_semaphore, #tpu.memory_space<semaphore_mem>>) src(%dma_wait3A_728 : memref<7999488xf32, #tpu.memory_space<hbm>>) dst(%dma_wait3A_723 : memref<128xf32, #tpu.memory_space<vmem>>)
    %dma_wait3A_729 = arith.constant 9 : i32
    %dma_wait3A_730 = arith.constant 9 : i32
    %dma_wait3A_731 = arith.constant 0 : i32
    %dma_wait3A_732 = tpu.memref_slice %arg14[%dma_wait3A_730, %dma_wait3A_731] : memref<32x128xf32, #tpu.memory_space<vmem>> -> memref<1x128xf32, #tpu.memory_space<vmem>>
    %dma_wait3A_733 = tpu.memref_squeeze %dma_wait3A_732 : memref<1x128xf32, #tpu.memory_space<vmem>> -> memref<128xf32, #tpu.memory_space<vmem>>
    %dma_wait3A_734 = arith.constant 0 : i32
    %dma_wait3A_735 = tpu.memref_slice %arg12[%dma_wait3A_729, %dma_wait3A_734] : memref<32x128xi32, #tpu.memory_space<vmem>> -> memref<1x128xi32, #tpu.memory_space<vmem>>
    %dma_wait3A_736 = tpu.memref_squeeze %dma_wait3A_735 : memref<1x128xi32, #tpu.memory_space<vmem>> -> memref<128xi32, #tpu.memory_space<vmem>>
    %dma_wait3A_737 = arith.constant 0 : i32
    %dma_wait3A_738 = tpu.memref_slice %arg3[%dma_wait3A_737] : memref<7999488xf32, #tpu.memory_space<hbm>> -> memref<7999488xf32, #tpu.memory_space<hbm>>
    tpu.wait_indirect_dma semaphore(%arg18 : memref<!tpu.dma_semaphore, #tpu.memory_space<semaphore_mem>>) src(%dma_wait3A_738 : memref<7999488xf32, #tpu.memory_space<hbm>>) dst(%dma_wait3A_733 : memref<128xf32, #tpu.memory_space<vmem>>)
    %dma_wait3A_739 = arith.constant 10 : i32
    %dma_wait3A_740 = arith.constant 10 : i32
    %dma_wait3A_741 = arith.constant 0 : i32
    %dma_wait3A_742 = tpu.memref_slice %arg14[%dma_wait3A_740, %dma_wait3A_741] : memref<32x128xf32, #tpu.memory_space<vmem>> -> memref<1x128xf32, #tpu.memory_space<vmem>>
    %dma_wait3A_743 = tpu.memref_squeeze %dma_wait3A_742 : memref<1x128xf32, #tpu.memory_space<vmem>> -> memref<128xf32, #tpu.memory_space<vmem>>
    %dma_wait3A_744 = arith.constant 0 : i32
    %dma_wait3A_745 = tpu.memref_slice %arg12[%dma_wait3A_739, %dma_wait3A_744] : memref<32x128xi32, #tpu.memory_space<vmem>> -> memref<1x128xi32, #tpu.memory_space<vmem>>
    %dma_wait3A_746 = tpu.memref_squeeze %dma_wait3A_745 : memref<1x128xi32, #tpu.memory_space<vmem>> -> memref<128xi32, #tpu.memory_space<vmem>>
    %dma_wait3A_747 = arith.constant 0 : i32
    %dma_wait3A_748 = tpu.memref_slice %arg3[%dma_wait3A_747] : memref<7999488xf32, #tpu.memory_space<hbm>> -> memref<7999488xf32, #tpu.memory_space<hbm>>
    tpu.wait_indirect_dma semaphore(%arg18 : memref<!tpu.dma_semaphore, #tpu.memory_space<semaphore_mem>>) src(%dma_wait3A_748 : memref<7999488xf32, #tpu.memory_space<hbm>>) dst(%dma_wait3A_743 : memref<128xf32, #tpu.memory_space<vmem>>)
    %dma_wait3A_749 = arith.constant 11 : i32
    %dma_wait3A_750 = arith.constant 11 : i32
    %dma_wait3A_751 = arith.constant 0 : i32
    %dma_wait3A_752 = tpu.memref_slice %arg14[%dma_wait3A_750, %dma_wait3A_751] : memref<32x128xf32, #tpu.memory_space<vmem>> -> memref<1x128xf32, #tpu.memory_space<vmem>>
    %dma_wait3A_753 = tpu.memref_squeeze %dma_wait3A_752 : memref<1x128xf32, #tpu.memory_space<vmem>> -> memref<128xf32, #tpu.memory_space<vmem>>
    %dma_wait3A_754 = arith.constant 0 : i32
    %dma_wait3A_755 = tpu.memref_slice %arg12[%dma_wait3A_749, %dma_wait3A_754] : memref<32x128xi32, #tpu.memory_space<vmem>> -> memref<1x128xi32, #tpu.memory_space<vmem>>
    %dma_wait3A_756 = tpu.memref_squeeze %dma_wait3A_755 : memref<1x128xi32, #tpu.memory_space<vmem>> -> memref<128xi32, #tpu.memory_space<vmem>>
    %dma_wait3A_757 = arith.constant 0 : i32
    %dma_wait3A_758 = tpu.memref_slice %arg3[%dma_wait3A_757] : memref<7999488xf32, #tpu.memory_space<hbm>> -> memref<7999488xf32, #tpu.memory_space<hbm>>
    tpu.wait_indirect_dma semaphore(%arg18 : memref<!tpu.dma_semaphore, #tpu.memory_space<semaphore_mem>>) src(%dma_wait3A_758 : memref<7999488xf32, #tpu.memory_space<hbm>>) dst(%dma_wait3A_753 : memref<128xf32, #tpu.memory_space<vmem>>)
    %dma_wait3A_759 = arith.constant 12 : i32
    %dma_wait3A_760 = arith.constant 12 : i32
    %dma_wait3A_761 = arith.constant 0 : i32
    %dma_wait3A_762 = tpu.memref_slice %arg14[%dma_wait3A_760, %dma_wait3A_761] : memref<32x128xf32, #tpu.memory_space<vmem>> -> memref<1x128xf32, #tpu.memory_space<vmem>>
    %dma_wait3A_763 = tpu.memref_squeeze %dma_wait3A_762 : memref<1x128xf32, #tpu.memory_space<vmem>> -> memref<128xf32, #tpu.memory_space<vmem>>
    %dma_wait3A_764 = arith.constant 0 : i32
    %dma_wait3A_765 = tpu.memref_slice %arg12[%dma_wait3A_759, %dma_wait3A_764] : memref<32x128xi32, #tpu.memory_space<vmem>> -> memref<1x128xi32, #tpu.memory_space<vmem>>
    %dma_wait3A_766 = tpu.memref_squeeze %dma_wait3A_765 : memref<1x128xi32, #tpu.memory_space<vmem>> -> memref<128xi32, #tpu.memory_space<vmem>>
    %dma_wait3A_767 = arith.constant 0 : i32
    %dma_wait3A_768 = tpu.memref_slice %arg3[%dma_wait3A_767] : memref<7999488xf32, #tpu.memory_space<hbm>> -> memref<7999488xf32, #tpu.memory_space<hbm>>
    tpu.wait_indirect_dma semaphore(%arg18 : memref<!tpu.dma_semaphore, #tpu.memory_space<semaphore_mem>>) src(%dma_wait3A_768 : memref<7999488xf32, #tpu.memory_space<hbm>>) dst(%dma_wait3A_763 : memref<128xf32, #tpu.memory_space<vmem>>)
    %dma_wait3A_769 = arith.constant 13 : i32
    %dma_wait3A_770 = arith.constant 13 : i32
    %dma_wait3A_771 = arith.constant 0 : i32
    %dma_wait3A_772 = tpu.memref_slice %arg14[%dma_wait3A_770, %dma_wait3A_771] : memref<32x128xf32, #tpu.memory_space<vmem>> -> memref<1x128xf32, #tpu.memory_space<vmem>>
    %dma_wait3A_773 = tpu.memref_squeeze %dma_wait3A_772 : memref<1x128xf32, #tpu.memory_space<vmem>> -> memref<128xf32, #tpu.memory_space<vmem>>
    %dma_wait3A_774 = arith.constant 0 : i32
    %dma_wait3A_775 = tpu.memref_slice %arg12[%dma_wait3A_769, %dma_wait3A_774] : memref<32x128xi32, #tpu.memory_space<vmem>> -> memref<1x128xi32, #tpu.memory_space<vmem>>
    %dma_wait3A_776 = tpu.memref_squeeze %dma_wait3A_775 : memref<1x128xi32, #tpu.memory_space<vmem>> -> memref<128xi32, #tpu.memory_space<vmem>>
    %dma_wait3A_777 = arith.constant 0 : i32
    %dma_wait3A_778 = tpu.memref_slice %arg3[%dma_wait3A_777] : memref<7999488xf32, #tpu.memory_space<hbm>> -> memref<7999488xf32, #tpu.memory_space<hbm>>
    tpu.wait_indirect_dma semaphore(%arg18 : memref<!tpu.dma_semaphore, #tpu.memory_space<semaphore_mem>>) src(%dma_wait3A_778 : memref<7999488xf32, #tpu.memory_space<hbm>>) dst(%dma_wait3A_773 : memref<128xf32, #tpu.memory_space<vmem>>)
    %dma_wait3A_779 = arith.constant 14 : i32
    %dma_wait3A_780 = arith.constant 14 : i32
    %dma_wait3A_781 = arith.constant 0 : i32
    %dma_wait3A_782 = tpu.memref_slice %arg14[%dma_wait3A_780, %dma_wait3A_781] : memref<32x128xf32, #tpu.memory_space<vmem>> -> memref<1x128xf32, #tpu.memory_space<vmem>>
    %dma_wait3A_783 = tpu.memref_squeeze %dma_wait3A_782 : memref<1x128xf32, #tpu.memory_space<vmem>> -> memref<128xf32, #tpu.memory_space<vmem>>
    %dma_wait3A_784 = arith.constant 0 : i32
    %dma_wait3A_785 = tpu.memref_slice %arg12[%dma_wait3A_779, %dma_wait3A_784] : memref<32x128xi32, #tpu.memory_space<vmem>> -> memref<1x128xi32, #tpu.memory_space<vmem>>
    %dma_wait3A_786 = tpu.memref_squeeze %dma_wait3A_785 : memref<1x128xi32, #tpu.memory_space<vmem>> -> memref<128xi32, #tpu.memory_space<vmem>>
    %dma_wait3A_787 = arith.constant 0 : i32
    %dma_wait3A_788 = tpu.memref_slice %arg3[%dma_wait3A_787] : memref<7999488xf32, #tpu.memory_space<hbm>> -> memref<7999488xf32, #tpu.memory_space<hbm>>
    tpu.wait_indirect_dma semaphore(%arg18 : memref<!tpu.dma_semaphore, #tpu.memory_space<semaphore_mem>>) src(%dma_wait3A_788 : memref<7999488xf32, #tpu.memory_space<hbm>>) dst(%dma_wait3A_783 : memref<128xf32, #tpu.memory_space<vmem>>)
    %dma_wait3A_789 = arith.constant 15 : i32
    %dma_wait3A_790 = arith.constant 15 : i32
    %dma_wait3A_791 = arith.constant 0 : i32
    %dma_wait3A_792 = tpu.memref_slice %arg14[%dma_wait3A_790, %dma_wait3A_791] : memref<32x128xf32, #tpu.memory_space<vmem>> -> memref<1x128xf32, #tpu.memory_space<vmem>>
    %dma_wait3A_793 = tpu.memref_squeeze %dma_wait3A_792 : memref<1x128xf32, #tpu.memory_space<vmem>> -> memref<128xf32, #tpu.memory_space<vmem>>
    %dma_wait3A_794 = arith.constant 0 : i32
    %dma_wait3A_795 = tpu.memref_slice %arg12[%dma_wait3A_789, %dma_wait3A_794] : memref<32x128xi32, #tpu.memory_space<vmem>> -> memref<1x128xi32, #tpu.memory_space<vmem>>
    %dma_wait3A_796 = tpu.memref_squeeze %dma_wait3A_795 : memref<1x128xi32, #tpu.memory_space<vmem>> -> memref<128xi32, #tpu.memory_space<vmem>>
    %dma_wait3A_797 = arith.constant 0 : i32
    %dma_wait3A_798 = tpu.memref_slice %arg3[%dma_wait3A_797] : memref<7999488xf32, #tpu.memory_space<hbm>> -> memref<7999488xf32, #tpu.memory_space<hbm>>
    tpu.wait_indirect_dma semaphore(%arg18 : memref<!tpu.dma_semaphore, #tpu.memory_space<semaphore_mem>>) src(%dma_wait3A_798 : memref<7999488xf32, #tpu.memory_space<hbm>>) dst(%dma_wait3A_793 : memref<128xf32, #tpu.memory_space<vmem>>)
    %dma_wait3A_799 = arith.constant 16 : i32
    %dma_wait3A_800 = arith.constant 16 : i32
    %dma_wait3A_801 = arith.constant 0 : i32
    %dma_wait3A_802 = tpu.memref_slice %arg14[%dma_wait3A_800, %dma_wait3A_801] : memref<32x128xf32, #tpu.memory_space<vmem>> -> memref<1x128xf32, #tpu.memory_space<vmem>>
    %dma_wait3A_803 = tpu.memref_squeeze %dma_wait3A_802 : memref<1x128xf32, #tpu.memory_space<vmem>> -> memref<128xf32, #tpu.memory_space<vmem>>
    %dma_wait3A_804 = arith.constant 0 : i32
    %dma_wait3A_805 = tpu.memref_slice %arg12[%dma_wait3A_799, %dma_wait3A_804] : memref<32x128xi32, #tpu.memory_space<vmem>> -> memref<1x128xi32, #tpu.memory_space<vmem>>
    %dma_wait3A_806 = tpu.memref_squeeze %dma_wait3A_805 : memref<1x128xi32, #tpu.memory_space<vmem>> -> memref<128xi32, #tpu.memory_space<vmem>>
    %dma_wait3A_807 = arith.constant 0 : i32
    %dma_wait3A_808 = tpu.memref_slice %arg3[%dma_wait3A_807] : memref<7999488xf32, #tpu.memory_space<hbm>> -> memref<7999488xf32, #tpu.memory_space<hbm>>
    tpu.wait_indirect_dma semaphore(%arg18 : memref<!tpu.dma_semaphore, #tpu.memory_space<semaphore_mem>>) src(%dma_wait3A_808 : memref<7999488xf32, #tpu.memory_space<hbm>>) dst(%dma_wait3A_803 : memref<128xf32, #tpu.memory_space<vmem>>)
    %dma_wait3A_809 = arith.constant 17 : i32
    %dma_wait3A_810 = arith.constant 17 : i32
    %dma_wait3A_811 = arith.constant 0 : i32
    %dma_wait3A_812 = tpu.memref_slice %arg14[%dma_wait3A_810, %dma_wait3A_811] : memref<32x128xf32, #tpu.memory_space<vmem>> -> memref<1x128xf32, #tpu.memory_space<vmem>>
    %dma_wait3A_813 = tpu.memref_squeeze %dma_wait3A_812 : memref<1x128xf32, #tpu.memory_space<vmem>> -> memref<128xf32, #tpu.memory_space<vmem>>
    %dma_wait3A_814 = arith.constant 0 : i32
    %dma_wait3A_815 = tpu.memref_slice %arg12[%dma_wait3A_809, %dma_wait3A_814] : memref<32x128xi32, #tpu.memory_space<vmem>> -> memref<1x128xi32, #tpu.memory_space<vmem>>
    %dma_wait3A_816 = tpu.memref_squeeze %dma_wait3A_815 : memref<1x128xi32, #tpu.memory_space<vmem>> -> memref<128xi32, #tpu.memory_space<vmem>>
    %dma_wait3A_817 = arith.constant 0 : i32
    %dma_wait3A_818 = tpu.memref_slice %arg3[%dma_wait3A_817] : memref<7999488xf32, #tpu.memory_space<hbm>> -> memref<7999488xf32, #tpu.memory_space<hbm>>
    tpu.wait_indirect_dma semaphore(%arg18 : memref<!tpu.dma_semaphore, #tpu.memory_space<semaphore_mem>>) src(%dma_wait3A_818 : memref<7999488xf32, #tpu.memory_space<hbm>>) dst(%dma_wait3A_813 : memref<128xf32, #tpu.memory_space<vmem>>)
    %dma_wait3A_819 = arith.constant 18 : i32
    %dma_wait3A_820 = arith.constant 18 : i32
    %dma_wait3A_821 = arith.constant 0 : i32
    %dma_wait3A_822 = tpu.memref_slice %arg14[%dma_wait3A_820, %dma_wait3A_821] : memref<32x128xf32, #tpu.memory_space<vmem>> -> memref<1x128xf32, #tpu.memory_space<vmem>>
    %dma_wait3A_823 = tpu.memref_squeeze %dma_wait3A_822 : memref<1x128xf32, #tpu.memory_space<vmem>> -> memref<128xf32, #tpu.memory_space<vmem>>
    %dma_wait3A_824 = arith.constant 0 : i32
    %dma_wait3A_825 = tpu.memref_slice %arg12[%dma_wait3A_819, %dma_wait3A_824] : memref<32x128xi32, #tpu.memory_space<vmem>> -> memref<1x128xi32, #tpu.memory_space<vmem>>
    %dma_wait3A_826 = tpu.memref_squeeze %dma_wait3A_825 : memref<1x128xi32, #tpu.memory_space<vmem>> -> memref<128xi32, #tpu.memory_space<vmem>>
    %dma_wait3A_827 = arith.constant 0 : i32
    %dma_wait3A_828 = tpu.memref_slice %arg3[%dma_wait3A_827] : memref<7999488xf32, #tpu.memory_space<hbm>> -> memref<7999488xf32, #tpu.memory_space<hbm>>
    tpu.wait_indirect_dma semaphore(%arg18 : memref<!tpu.dma_semaphore, #tpu.memory_space<semaphore_mem>>) src(%dma_wait3A_828 : memref<7999488xf32, #tpu.memory_space<hbm>>) dst(%dma_wait3A_823 : memref<128xf32, #tpu.memory_space<vmem>>)
    %dma_wait3A_829 = arith.constant 19 : i32
    %dma_wait3A_830 = arith.constant 19 : i32
    %dma_wait3A_831 = arith.constant 0 : i32
    %dma_wait3A_832 = tpu.memref_slice %arg14[%dma_wait3A_830, %dma_wait3A_831] : memref<32x128xf32, #tpu.memory_space<vmem>> -> memref<1x128xf32, #tpu.memory_space<vmem>>
    %dma_wait3A_833 = tpu.memref_squeeze %dma_wait3A_832 : memref<1x128xf32, #tpu.memory_space<vmem>> -> memref<128xf32, #tpu.memory_space<vmem>>
    %dma_wait3A_834 = arith.constant 0 : i32
    %dma_wait3A_835 = tpu.memref_slice %arg12[%dma_wait3A_829, %dma_wait3A_834] : memref<32x128xi32, #tpu.memory_space<vmem>> -> memref<1x128xi32, #tpu.memory_space<vmem>>
    %dma_wait3A_836 = tpu.memref_squeeze %dma_wait3A_835 : memref<1x128xi32, #tpu.memory_space<vmem>> -> memref<128xi32, #tpu.memory_space<vmem>>
    %dma_wait3A_837 = arith.constant 0 : i32
    %dma_wait3A_838 = tpu.memref_slice %arg3[%dma_wait3A_837] : memref<7999488xf32, #tpu.memory_space<hbm>> -> memref<7999488xf32, #tpu.memory_space<hbm>>
    tpu.wait_indirect_dma semaphore(%arg18 : memref<!tpu.dma_semaphore, #tpu.memory_space<semaphore_mem>>) src(%dma_wait3A_838 : memref<7999488xf32, #tpu.memory_space<hbm>>) dst(%dma_wait3A_833 : memref<128xf32, #tpu.memory_space<vmem>>)
    %dma_wait3A_839 = arith.constant 20 : i32
    %dma_wait3A_840 = arith.constant 20 : i32
    %dma_wait3A_841 = arith.constant 0 : i32
    %dma_wait3A_842 = tpu.memref_slice %arg14[%dma_wait3A_840, %dma_wait3A_841] : memref<32x128xf32, #tpu.memory_space<vmem>> -> memref<1x128xf32, #tpu.memory_space<vmem>>
    %dma_wait3A_843 = tpu.memref_squeeze %dma_wait3A_842 : memref<1x128xf32, #tpu.memory_space<vmem>> -> memref<128xf32, #tpu.memory_space<vmem>>
    %dma_wait3A_844 = arith.constant 0 : i32
    %dma_wait3A_845 = tpu.memref_slice %arg12[%dma_wait3A_839, %dma_wait3A_844] : memref<32x128xi32, #tpu.memory_space<vmem>> -> memref<1x128xi32, #tpu.memory_space<vmem>>
    %dma_wait3A_846 = tpu.memref_squeeze %dma_wait3A_845 : memref<1x128xi32, #tpu.memory_space<vmem>> -> memref<128xi32, #tpu.memory_space<vmem>>
    %dma_wait3A_847 = arith.constant 0 : i32
    %dma_wait3A_848 = tpu.memref_slice %arg3[%dma_wait3A_847] : memref<7999488xf32, #tpu.memory_space<hbm>> -> memref<7999488xf32, #tpu.memory_space<hbm>>
    tpu.wait_indirect_dma semaphore(%arg18 : memref<!tpu.dma_semaphore, #tpu.memory_space<semaphore_mem>>) src(%dma_wait3A_848 : memref<7999488xf32, #tpu.memory_space<hbm>>) dst(%dma_wait3A_843 : memref<128xf32, #tpu.memory_space<vmem>>)
    %dma_wait3A_849 = arith.constant 21 : i32
    %dma_wait3A_850 = arith.constant 21 : i32
    %dma_wait3A_851 = arith.constant 0 : i32
    %dma_wait3A_852 = tpu.memref_slice %arg14[%dma_wait3A_850, %dma_wait3A_851] : memref<32x128xf32, #tpu.memory_space<vmem>> -> memref<1x128xf32, #tpu.memory_space<vmem>>
    %dma_wait3A_853 = tpu.memref_squeeze %dma_wait3A_852 : memref<1x128xf32, #tpu.memory_space<vmem>> -> memref<128xf32, #tpu.memory_space<vmem>>
    %dma_wait3A_854 = arith.constant 0 : i32
    %dma_wait3A_855 = tpu.memref_slice %arg12[%dma_wait3A_849, %dma_wait3A_854] : memref<32x128xi32, #tpu.memory_space<vmem>> -> memref<1x128xi32, #tpu.memory_space<vmem>>
    %dma_wait3A_856 = tpu.memref_squeeze %dma_wait3A_855 : memref<1x128xi32, #tpu.memory_space<vmem>> -> memref<128xi32, #tpu.memory_space<vmem>>
    %dma_wait3A_857 = arith.constant 0 : i32
    %dma_wait3A_858 = tpu.memref_slice %arg3[%dma_wait3A_857] : memref<7999488xf32, #tpu.memory_space<hbm>> -> memref<7999488xf32, #tpu.memory_space<hbm>>
    tpu.wait_indirect_dma semaphore(%arg18 : memref<!tpu.dma_semaphore, #tpu.memory_space<semaphore_mem>>) src(%dma_wait3A_858 : memref<7999488xf32, #tpu.memory_space<hbm>>) dst(%dma_wait3A_853 : memref<128xf32, #tpu.memory_space<vmem>>)
    %dma_wait3A_859 = arith.constant 22 : i32
    %dma_wait3A_860 = arith.constant 22 : i32
    %dma_wait3A_861 = arith.constant 0 : i32
    %dma_wait3A_862 = tpu.memref_slice %arg14[%dma_wait3A_860, %dma_wait3A_861] : memref<32x128xf32, #tpu.memory_space<vmem>> -> memref<1x128xf32, #tpu.memory_space<vmem>>
    %dma_wait3A_863 = tpu.memref_squeeze %dma_wait3A_862 : memref<1x128xf32, #tpu.memory_space<vmem>> -> memref<128xf32, #tpu.memory_space<vmem>>
    %dma_wait3A_864 = arith.constant 0 : i32
    %dma_wait3A_865 = tpu.memref_slice %arg12[%dma_wait3A_859, %dma_wait3A_864] : memref<32x128xi32, #tpu.memory_space<vmem>> -> memref<1x128xi32, #tpu.memory_space<vmem>>
    %dma_wait3A_866 = tpu.memref_squeeze %dma_wait3A_865 : memref<1x128xi32, #tpu.memory_space<vmem>> -> memref<128xi32, #tpu.memory_space<vmem>>
    %dma_wait3A_867 = arith.constant 0 : i32
    %dma_wait3A_868 = tpu.memref_slice %arg3[%dma_wait3A_867] : memref<7999488xf32, #tpu.memory_space<hbm>> -> memref<7999488xf32, #tpu.memory_space<hbm>>
    tpu.wait_indirect_dma semaphore(%arg18 : memref<!tpu.dma_semaphore, #tpu.memory_space<semaphore_mem>>) src(%dma_wait3A_868 : memref<7999488xf32, #tpu.memory_space<hbm>>) dst(%dma_wait3A_863 : memref<128xf32, #tpu.memory_space<vmem>>)
    %dma_wait3A_869 = arith.constant 23 : i32
    %dma_wait3A_870 = arith.constant 23 : i32
    %dma_wait3A_871 = arith.constant 0 : i32
    %dma_wait3A_872 = tpu.memref_slice %arg14[%dma_wait3A_870, %dma_wait3A_871] : memref<32x128xf32, #tpu.memory_space<vmem>> -> memref<1x128xf32, #tpu.memory_space<vmem>>
    %dma_wait3A_873 = tpu.memref_squeeze %dma_wait3A_872 : memref<1x128xf32, #tpu.memory_space<vmem>> -> memref<128xf32, #tpu.memory_space<vmem>>
    %dma_wait3A_874 = arith.constant 0 : i32
    %dma_wait3A_875 = tpu.memref_slice %arg12[%dma_wait3A_869, %dma_wait3A_874] : memref<32x128xi32, #tpu.memory_space<vmem>> -> memref<1x128xi32, #tpu.memory_space<vmem>>
    %dma_wait3A_876 = tpu.memref_squeeze %dma_wait3A_875 : memref<1x128xi32, #tpu.memory_space<vmem>> -> memref<128xi32, #tpu.memory_space<vmem>>
    %dma_wait3A_877 = arith.constant 0 : i32
    %dma_wait3A_878 = tpu.memref_slice %arg3[%dma_wait3A_877] : memref<7999488xf32, #tpu.memory_space<hbm>> -> memref<7999488xf32, #tpu.memory_space<hbm>>
    tpu.wait_indirect_dma semaphore(%arg18 : memref<!tpu.dma_semaphore, #tpu.memory_space<semaphore_mem>>) src(%dma_wait3A_878 : memref<7999488xf32, #tpu.memory_space<hbm>>) dst(%dma_wait3A_873 : memref<128xf32, #tpu.memory_space<vmem>>)
    %dma_wait3A_879 = arith.constant 24 : i32
    %dma_wait3A_880 = arith.constant 24 : i32
    %dma_wait3A_881 = arith.constant 0 : i32
    %dma_wait3A_882 = tpu.memref_slice %arg14[%dma_wait3A_880, %dma_wait3A_881] : memref<32x128xf32, #tpu.memory_space<vmem>> -> memref<1x128xf32, #tpu.memory_space<vmem>>
    %dma_wait3A_883 = tpu.memref_squeeze %dma_wait3A_882 : memref<1x128xf32, #tpu.memory_space<vmem>> -> memref<128xf32, #tpu.memory_space<vmem>>
    %dma_wait3A_884 = arith.constant 0 : i32
    %dma_wait3A_885 = tpu.memref_slice %arg12[%dma_wait3A_879, %dma_wait3A_884] : memref<32x128xi32, #tpu.memory_space<vmem>> -> memref<1x128xi32, #tpu.memory_space<vmem>>
    %dma_wait3A_886 = tpu.memref_squeeze %dma_wait3A_885 : memref<1x128xi32, #tpu.memory_space<vmem>> -> memref<128xi32, #tpu.memory_space<vmem>>
    %dma_wait3A_887 = arith.constant 0 : i32
    %dma_wait3A_888 = tpu.memref_slice %arg3[%dma_wait3A_887] : memref<7999488xf32, #tpu.memory_space<hbm>> -> memref<7999488xf32, #tpu.memory_space<hbm>>
    tpu.wait_indirect_dma semaphore(%arg18 : memref<!tpu.dma_semaphore, #tpu.memory_space<semaphore_mem>>) src(%dma_wait3A_888 : memref<7999488xf32, #tpu.memory_space<hbm>>) dst(%dma_wait3A_883 : memref<128xf32, #tpu.memory_space<vmem>>)
    %dma_wait3A_889 = arith.constant 25 : i32
    %dma_wait3A_890 = arith.constant 25 : i32
    %dma_wait3A_891 = arith.constant 0 : i32
    %dma_wait3A_892 = tpu.memref_slice %arg14[%dma_wait3A_890, %dma_wait3A_891] : memref<32x128xf32, #tpu.memory_space<vmem>> -> memref<1x128xf32, #tpu.memory_space<vmem>>
    %dma_wait3A_893 = tpu.memref_squeeze %dma_wait3A_892 : memref<1x128xf32, #tpu.memory_space<vmem>> -> memref<128xf32, #tpu.memory_space<vmem>>
    %dma_wait3A_894 = arith.constant 0 : i32
    %dma_wait3A_895 = tpu.memref_slice %arg12[%dma_wait3A_889, %dma_wait3A_894] : memref<32x128xi32, #tpu.memory_space<vmem>> -> memref<1x128xi32, #tpu.memory_space<vmem>>
    %dma_wait3A_896 = tpu.memref_squeeze %dma_wait3A_895 : memref<1x128xi32, #tpu.memory_space<vmem>> -> memref<128xi32, #tpu.memory_space<vmem>>
    %dma_wait3A_897 = arith.constant 0 : i32
    %dma_wait3A_898 = tpu.memref_slice %arg3[%dma_wait3A_897] : memref<7999488xf32, #tpu.memory_space<hbm>> -> memref<7999488xf32, #tpu.memory_space<hbm>>
    tpu.wait_indirect_dma semaphore(%arg18 : memref<!tpu.dma_semaphore, #tpu.memory_space<semaphore_mem>>) src(%dma_wait3A_898 : memref<7999488xf32, #tpu.memory_space<hbm>>) dst(%dma_wait3A_893 : memref<128xf32, #tpu.memory_space<vmem>>)
    %dma_wait3A_899 = arith.constant 26 : i32
    %dma_wait3A_900 = arith.constant 26 : i32
    %dma_wait3A_901 = arith.constant 0 : i32
    %dma_wait3A_902 = tpu.memref_slice %arg14[%dma_wait3A_900, %dma_wait3A_901] : memref<32x128xf32, #tpu.memory_space<vmem>> -> memref<1x128xf32, #tpu.memory_space<vmem>>
    %dma_wait3A_903 = tpu.memref_squeeze %dma_wait3A_902 : memref<1x128xf32, #tpu.memory_space<vmem>> -> memref<128xf32, #tpu.memory_space<vmem>>
    %dma_wait3A_904 = arith.constant 0 : i32
    %dma_wait3A_905 = tpu.memref_slice %arg12[%dma_wait3A_899, %dma_wait3A_904] : memref<32x128xi32, #tpu.memory_space<vmem>> -> memref<1x128xi32, #tpu.memory_space<vmem>>
    %dma_wait3A_906 = tpu.memref_squeeze %dma_wait3A_905 : memref<1x128xi32, #tpu.memory_space<vmem>> -> memref<128xi32, #tpu.memory_space<vmem>>
    %dma_wait3A_907 = arith.constant 0 : i32
    %dma_wait3A_908 = tpu.memref_slice %arg3[%dma_wait3A_907] : memref<7999488xf32, #tpu.memory_space<hbm>> -> memref<7999488xf32, #tpu.memory_space<hbm>>
    tpu.wait_indirect_dma semaphore(%arg18 : memref<!tpu.dma_semaphore, #tpu.memory_space<semaphore_mem>>) src(%dma_wait3A_908 : memref<7999488xf32, #tpu.memory_space<hbm>>) dst(%dma_wait3A_903 : memref<128xf32, #tpu.memory_space<vmem>>)
    %dma_wait3A_909 = arith.constant 27 : i32
    %dma_wait3A_910 = arith.constant 27 : i32
    %dma_wait3A_911 = arith.constant 0 : i32
    %dma_wait3A_912 = tpu.memref_slice %arg14[%dma_wait3A_910, %dma_wait3A_911] : memref<32x128xf32, #tpu.memory_space<vmem>> -> memref<1x128xf32, #tpu.memory_space<vmem>>
    %dma_wait3A_913 = tpu.memref_squeeze %dma_wait3A_912 : memref<1x128xf32, #tpu.memory_space<vmem>> -> memref<128xf32, #tpu.memory_space<vmem>>
    %dma_wait3A_914 = arith.constant 0 : i32
    %dma_wait3A_915 = tpu.memref_slice %arg12[%dma_wait3A_909, %dma_wait3A_914] : memref<32x128xi32, #tpu.memory_space<vmem>> -> memref<1x128xi32, #tpu.memory_space<vmem>>
    %dma_wait3A_916 = tpu.memref_squeeze %dma_wait3A_915 : memref<1x128xi32, #tpu.memory_space<vmem>> -> memref<128xi32, #tpu.memory_space<vmem>>
    %dma_wait3A_917 = arith.constant 0 : i32
    %dma_wait3A_918 = tpu.memref_slice %arg3[%dma_wait3A_917] : memref<7999488xf32, #tpu.memory_space<hbm>> -> memref<7999488xf32, #tpu.memory_space<hbm>>
    tpu.wait_indirect_dma semaphore(%arg18 : memref<!tpu.dma_semaphore, #tpu.memory_space<semaphore_mem>>) src(%dma_wait3A_918 : memref<7999488xf32, #tpu.memory_space<hbm>>) dst(%dma_wait3A_913 : memref<128xf32, #tpu.memory_space<vmem>>)
    %dma_wait3A_919 = arith.constant 28 : i32
    %dma_wait3A_920 = arith.constant 28 : i32
    %dma_wait3A_921 = arith.constant 0 : i32
    %dma_wait3A_922 = tpu.memref_slice %arg14[%dma_wait3A_920, %dma_wait3A_921] : memref<32x128xf32, #tpu.memory_space<vmem>> -> memref<1x128xf32, #tpu.memory_space<vmem>>
    %dma_wait3A_923 = tpu.memref_squeeze %dma_wait3A_922 : memref<1x128xf32, #tpu.memory_space<vmem>> -> memref<128xf32, #tpu.memory_space<vmem>>
    %dma_wait3A_924 = arith.constant 0 : i32
    %dma_wait3A_925 = tpu.memref_slice %arg12[%dma_wait3A_919, %dma_wait3A_924] : memref<32x128xi32, #tpu.memory_space<vmem>> -> memref<1x128xi32, #tpu.memory_space<vmem>>
    %dma_wait3A_926 = tpu.memref_squeeze %dma_wait3A_925 : memref<1x128xi32, #tpu.memory_space<vmem>> -> memref<128xi32, #tpu.memory_space<vmem>>
    %dma_wait3A_927 = arith.constant 0 : i32
    %dma_wait3A_928 = tpu.memref_slice %arg3[%dma_wait3A_927] : memref<7999488xf32, #tpu.memory_space<hbm>> -> memref<7999488xf32, #tpu.memory_space<hbm>>
    tpu.wait_indirect_dma semaphore(%arg18 : memref<!tpu.dma_semaphore, #tpu.memory_space<semaphore_mem>>) src(%dma_wait3A_928 : memref<7999488xf32, #tpu.memory_space<hbm>>) dst(%dma_wait3A_923 : memref<128xf32, #tpu.memory_space<vmem>>)
    %dma_wait3A_929 = arith.constant 29 : i32
    %dma_wait3A_930 = arith.constant 29 : i32
    %dma_wait3A_931 = arith.constant 0 : i32
    %dma_wait3A_932 = tpu.memref_slice %arg14[%dma_wait3A_930, %dma_wait3A_931] : memref<32x128xf32, #tpu.memory_space<vmem>> -> memref<1x128xf32, #tpu.memory_space<vmem>>
    %dma_wait3A_933 = tpu.memref_squeeze %dma_wait3A_932 : memref<1x128xf32, #tpu.memory_space<vmem>> -> memref<128xf32, #tpu.memory_space<vmem>>
    %dma_wait3A_934 = arith.constant 0 : i32
    %dma_wait3A_935 = tpu.memref_slice %arg12[%dma_wait3A_929, %dma_wait3A_934] : memref<32x128xi32, #tpu.memory_space<vmem>> -> memref<1x128xi32, #tpu.memory_space<vmem>>
    %dma_wait3A_936 = tpu.memref_squeeze %dma_wait3A_935 : memref<1x128xi32, #tpu.memory_space<vmem>> -> memref<128xi32, #tpu.memory_space<vmem>>
    %dma_wait3A_937 = arith.constant 0 : i32
    %dma_wait3A_938 = tpu.memref_slice %arg3[%dma_wait3A_937] : memref<7999488xf32, #tpu.memory_space<hbm>> -> memref<7999488xf32, #tpu.memory_space<hbm>>
    tpu.wait_indirect_dma semaphore(%arg18 : memref<!tpu.dma_semaphore, #tpu.memory_space<semaphore_mem>>) src(%dma_wait3A_938 : memref<7999488xf32, #tpu.memory_space<hbm>>) dst(%dma_wait3A_933 : memref<128xf32, #tpu.memory_space<vmem>>)
    %dma_wait3A_939 = arith.constant 30 : i32
    %dma_wait3A_940 = arith.constant 30 : i32
    %dma_wait3A_941 = arith.constant 0 : i32
    %dma_wait3A_942 = tpu.memref_slice %arg14[%dma_wait3A_940, %dma_wait3A_941] : memref<32x128xf32, #tpu.memory_space<vmem>> -> memref<1x128xf32, #tpu.memory_space<vmem>>
    %dma_wait3A_943 = tpu.memref_squeeze %dma_wait3A_942 : memref<1x128xf32, #tpu.memory_space<vmem>> -> memref<128xf32, #tpu.memory_space<vmem>>
    %dma_wait3A_944 = arith.constant 0 : i32
    %dma_wait3A_945 = tpu.memref_slice %arg12[%dma_wait3A_939, %dma_wait3A_944] : memref<32x128xi32, #tpu.memory_space<vmem>> -> memref<1x128xi32, #tpu.memory_space<vmem>>
    %dma_wait3A_946 = tpu.memref_squeeze %dma_wait3A_945 : memref<1x128xi32, #tpu.memory_space<vmem>> -> memref<128xi32, #tpu.memory_space<vmem>>
    %dma_wait3A_947 = arith.constant 0 : i32
    %dma_wait3A_948 = tpu.memref_slice %arg3[%dma_wait3A_947] : memref<7999488xf32, #tpu.memory_space<hbm>> -> memref<7999488xf32, #tpu.memory_space<hbm>>
    tpu.wait_indirect_dma semaphore(%arg18 : memref<!tpu.dma_semaphore, #tpu.memory_space<semaphore_mem>>) src(%dma_wait3A_948 : memref<7999488xf32, #tpu.memory_space<hbm>>) dst(%dma_wait3A_943 : memref<128xf32, #tpu.memory_space<vmem>>)
    %dma_wait3A_949 = arith.constant 31 : i32
    %dma_wait3A_950 = arith.constant 31 : i32
    %dma_wait3A_951 = arith.constant 0 : i32
    %dma_wait3A_952 = tpu.memref_slice %arg14[%dma_wait3A_950, %dma_wait3A_951] : memref<32x128xf32, #tpu.memory_space<vmem>> -> memref<1x128xf32, #tpu.memory_space<vmem>>
    %dma_wait3A_953 = tpu.memref_squeeze %dma_wait3A_952 : memref<1x128xf32, #tpu.memory_space<vmem>> -> memref<128xf32, #tpu.memory_space<vmem>>
    %dma_wait3A_954 = arith.constant 0 : i32
    %dma_wait3A_955 = tpu.memref_slice %arg12[%dma_wait3A_949, %dma_wait3A_954] : memref<32x128xi32, #tpu.memory_space<vmem>> -> memref<1x128xi32, #tpu.memory_space<vmem>>
    %dma_wait3A_956 = tpu.memref_squeeze %dma_wait3A_955 : memref<1x128xi32, #tpu.memory_space<vmem>> -> memref<128xi32, #tpu.memory_space<vmem>>
    %dma_wait3A_957 = arith.constant 0 : i32
    %dma_wait3A_958 = tpu.memref_slice %arg3[%dma_wait3A_957] : memref<7999488xf32, #tpu.memory_space<hbm>> -> memref<7999488xf32, #tpu.memory_space<hbm>>
    tpu.wait_indirect_dma semaphore(%arg18 : memref<!tpu.dma_semaphore, #tpu.memory_space<semaphore_mem>>) src(%dma_wait3A_958 : memref<7999488xf32, #tpu.memory_space<hbm>>) dst(%dma_wait3A_953 : memref<128xf32, #tpu.memory_space<vmem>>)
    %eq3A = arith.constant 2 : i32
    %eq3A_959 = arith.cmpi eq, %add3A, %eq3A : i32
    %convert_element_type3A = arith.extui %eq3A_959 : i1 to i32
    %cond3A = arith.constant 0 : i32
    %cond3A_960 = arith.cmpi ne, %convert_element_type3A, %cond3A : i32
    scf.if %cond3A_960 {
      "tpu.region"() ({
        %run_scoped3A = tpu.sem_alloc : memref<!tpu.dma_semaphore, #tpu.memory_space<semaphore_mem>>
        tpu.enqueue_dma source(%arg4 : memref<256xf32, #tpu.memory_space<hbm>>) target(%arg15 : memref<256xf32, #tpu.memory_space<vmem>>) target_semaphore(%run_scoped3A : memref<!tpu.dma_semaphore, #tpu.memory_space<semaphore_mem>>)
        tpu.wait_dma2 semaphore(%run_scoped3A : memref<!tpu.dma_semaphore, #tpu.memory_space<semaphore_mem>>) src(%arg4 : memref<256xf32, #tpu.memory_space<hbm>>) dst(%arg15 : memref<256xf32, #tpu.memory_space<vmem>>)
        tpu.yield
      }) : () -> ()
      "tpu.region"() ({
        %run_scoped3A = tpu.sem_alloc : memref<!tpu.dma_semaphore, #tpu.memory_space<semaphore_mem>>
        tpu.enqueue_dma source(%arg5 : memref<512xf32, #tpu.memory_space<hbm>>) target(%arg16 : memref<512xf32, #tpu.memory_space<vmem>>) target_semaphore(%run_scoped3A : memref<!tpu.dma_semaphore, #tpu.memory_space<semaphore_mem>>)
        tpu.wait_dma2 semaphore(%run_scoped3A : memref<!tpu.dma_semaphore, #tpu.memory_space<semaphore_mem>>) src(%arg5 : memref<512xf32, #tpu.memory_space<hbm>>) dst(%arg16 : memref<512xf32, #tpu.memory_space<vmem>>)
        tpu.yield
      }) : () -> ()
      "tpu.region"() ({
        %run_scoped3A = tpu.sem_alloc : memref<!tpu.dma_semaphore, #tpu.memory_space<semaphore_mem>>
        tpu.enqueue_dma source(%arg8 : memref<96xi32, #tpu.memory_space<hbm>>) target(%arg17 : memref<96xi32, #tpu.memory_space<vmem>>) target_semaphore(%run_scoped3A : memref<!tpu.dma_semaphore, #tpu.memory_space<semaphore_mem>>)
        tpu.wait_dma2 semaphore(%run_scoped3A : memref<!tpu.dma_semaphore, #tpu.memory_space<semaphore_mem>>) src(%arg8 : memref<96xi32, #tpu.memory_space<hbm>>) dst(%arg17 : memref<96xi32, #tpu.memory_space<vmem>>)
        tpu.yield
      }) : () -> ()
      %iota3A = tpu.iota {dimensions = array<i32: 0>} : vector<16xi32>
      %get3A = arith.constant 16 : index
      %get3A_969 = tpu.vector_load %arg17[%get3A] {strides = array<i32>} : memref<96xi32, #tpu.memory_space<vmem>>, vector<16xi32>,
      %get3A_970 = arith.constant 32 : index
      %get3A_971 = tpu.vector_load %arg17[%get3A_970] {strides = array<i32>} : memref<96xi32, #tpu.memory_space<vmem>>, vector<16xi32>,
      %get3A_972 = arith.constant 0 : index
      %get3A_973 = tpu.vector_load %arg17[%get3A_972] {strides = array<i32>} : memref<96xi32, #tpu.memory_space<vmem>>, vector<16xi32>,
      %gather3A = tpu.vector_load_idx %arg15[%get3A_973] : memref<256xf32, #tpu.memory_space<vmem>>[vector<16xi32>], vector<16xf32>,
      %lt3A = arith.constant 4 : i32
      %lt3A_974 = vector.broadcast %lt3A : i32 to vector<16xi32>
      %lt3A_975 = arith.cmpi slt, %iota3A, %lt3A_974 : vector<16xi32>
      tpu.vector_store_idx %arg13[%get3A_969, %get3A_971], %gather3A masked %lt3A_975 : memref<16x128xf32, #tpu.memory_space<vmem>>[vector<16xi32>, vector<16xi32>], vector<16xf32>, vector<16xi1>
      %get3A_976 = arith.constant 64 : index
      %get3A_977 = tpu.vector_load %arg17[%get3A_976] {strides = array<i32>} : memref<96xi32, #tpu.memory_space<vmem>>, vector<16xi32>,
      %get3A_978 = arith.constant 80 : index
      %get3A_979 = tpu.vector_load %arg17[%get3A_978] {strides = array<i32>} : memref<96xi32, #tpu.memory_space<vmem>>, vector<16xi32>,
      %get3A_980 = arith.constant 48 : index
      %get3A_981 = tpu.vector_load %arg17[%get3A_980] {strides = array<i32>} : memref<96xi32, #tpu.memory_space<vmem>>, vector<16xi32>,
      %gather3A_982 = tpu.vector_load_idx %arg16[%get3A_981] : memref<512xf32, #tpu.memory_space<vmem>>[vector<16xi32>], vector<16xf32>,
      %lt3A_983 = arith.constant 8 : i32
      %lt3A_984 = vector.broadcast %lt3A_983 : i32 to vector<16xi32>
      %lt3A_985 = arith.cmpi slt, %iota3A, %lt3A_984 : vector<16xi32>
      tpu.vector_store_idx %arg14[%get3A_977, %get3A_979], %gather3A_982 masked %lt3A_985 : memref<32x128xf32, #tpu.memory_space<vmem>>[vector<16xi32>, vector<16xi32>], vector<16xf32>, vector<16xi1>
    } else {
    }
    %mul3A_961 = arith.constant 4 : i32
    %mul3A_962 = arith.muli %add3A, %mul3A_961 : i32
    %mul3A_963 = arith.constant 4 : i32
    %mul3A_964 = arith.muli %mul3A_962, %mul3A_963 : i32
    "tpu.region"() ({
      %run_scoped3A = tpu.sem_alloc : memref<!tpu.dma_semaphore, #tpu.memory_space<semaphore_mem>>
      %dma_start3A_969 = arith.constant 0 : i32
      %dma_start3A_970 = tpu.memref_slice %arg9[%mul3A_964, %dma_start3A_969] : memref<512x128xf32, #tpu.memory_space<hbm>> -> memref<16x128xf32, #tpu.memory_space<hbm>>
      %dma_start3A_971 = arith.constant 0 : i32
      %dma_start3A_972 = tpu.memref_slice %arg9[%mul3A_964, %dma_start3A_971] : memref<512x128xf32, #tpu.memory_space<hbm>> -> memref<16x128xf32, #tpu.memory_space<hbm>>
      tpu.enqueue_dma source(%arg13 : memref<16x128xf32, #tpu.memory_space<vmem>>) target(%dma_start3A_972 : memref<16x128xf32, #tpu.memory_space<hbm>>) target_semaphore(%run_scoped3A : memref<!tpu.dma_semaphore, #tpu.memory_space<semaphore_mem>>)
      %dma_wait3A_973 = arith.constant 0 : i32
      %dma_wait3A_974 = tpu.memref_slice %arg9[%mul3A_964, %dma_wait3A_973] : memref<512x128xf32, #tpu.memory_space<hbm>> -> memref<16x128xf32, #tpu.memory_space<hbm>>
      %dma_wait3A_975 = arith.constant 0 : i32
      %dma_wait3A_976 = tpu.memref_slice %arg9[%mul3A_964, %dma_wait3A_975] : memref<512x128xf32, #tpu.memory_space<hbm>> -> memref<16x128xf32, #tpu.memory_space<hbm>>
      tpu.wait_dma2 semaphore(%run_scoped3A : memref<!tpu.dma_semaphore, #tpu.memory_space<semaphore_mem>>) src(%arg13 : memref<16x128xf32, #tpu.memory_space<vmem>>) dst(%dma_wait3A_976 : memref<16x128xf32, #tpu.memory_space<hbm>>)
      tpu.yield
    }) : () -> ()
    %mul3A_965 = arith.constant 4 : i32
    %mul3A_966 = arith.muli %add3A, %mul3A_965 : i32
    %mul3A_967 = arith.constant 8 : i32
    %mul3A_968 = arith.muli %mul3A_966, %mul3A_967 : i32
    "tpu.region"() ({
      %run_scoped3A = tpu.sem_alloc : memref<!tpu.dma_semaphore, #tpu.memory_space<semaphore_mem>>
      %dma_start3A_969 = arith.constant 0 : i32
      %dma_start3A_970 = tpu.memref_slice %arg10[%mul3A_968, %dma_start3A_969] : memref<1024x128xf32, #tpu.memory_space<hbm>> -> memref<32x128xf32, #tpu.memory_space<hbm>>
      %dma_start3A_971 = arith.constant 0 : i32
      %dma_start3A_972 = tpu.memref_slice %arg10[%mul3A_968, %dma_start3A_971] : memref<1024x128xf32, #tpu.memory_space<hbm>> -> memref<32x128xf32, #tpu.memory_space<hbm>>
      tpu.enqueue_dma source(%arg14 : memref<32x128xf32, #tpu.memory_space<vmem>>) target(%dma_start3A_972 : memref<32x128xf32, #tpu.memory_space<hbm>>) target_semaphore(%run_scoped3A : memref<!tpu.dma_semaphore, #tpu.memory_space<semaphore_mem>>)
      %dma_wait3A_973 = arith.constant 0 : i32
      %dma_wait3A_974 = tpu.memref_slice %arg10[%mul3A_968, %dma_wait3A_973] : memref<1024x128xf32, #tpu.memory_space<hbm>> -> memref<32x128xf32, #tpu.memory_space<hbm>>
      %dma_wait3A_975 = arith.constant 0 : i32
      %dma_wait3A_976 = tpu.memref_slice %arg10[%mul3A_968, %dma_wait3A_975] : memref<1024x128xf32, #tpu.memory_space<hbm>> -> memref<32x128xf32, #tpu.memory_space<hbm>>
      tpu.wait_dma2 semaphore(%run_scoped3A : memref<!tpu.dma_semaphore, #tpu.memory_space<semaphore_mem>>) src(%arg14 : memref<32x128xf32, #tpu.memory_space<vmem>>) dst(%dma_wait3A_976 : memref<32x128xf32, #tpu.memory_space<hbm>>)
      tpu.yield
    }) : () -> ()
    return
  }
}

</mosaic_0001>

<sc_bundles>
// kernel: minibatch_gather.3.cloned.1.call-start
scs
__scs_entry_jumppad:
0x0: {  	(pc) =	sbr.rel $0x88, $3  }
0x1: {  	(tag) =	ssettag $0x0;
	lr =	simm.s32 $0x1  }
0x2: {  	[smem:$0x3F9F] =	sst lr;
	_ =	strace $0xD0000000  }
0x3: {  	_ = 	snop  }
0x4: {  	_ = 	snop  }
0x5: {  	_ = 	snop  }
0x6: {  	_ = 	snop  }
0x7: {  	_ = 	snop  }
__scs_overlays_trampoline_lowered:
0x8: {  	[smem:$0x3FAE] =	sst s0  }
0x9: {  	[smem:$0x3FAF] =	sst s1  }
0xa: {  	[smem:$0x3FB0] =	sst s2  }
0xb: {  	[smem:$0x3FB1] =	sst s3  }
0xc: {  	[smem:$0x3FB2] =	sst s4  }
0xd: {  	[smem:$0x3FB3] =	sst s5  }
0xe: {  	[smem:$0x3FB4] =	sst s6  }
0xf: {  	[smem:$0x3FB5] =	sst s7  }
0x10: {  	[smem:$0x3FB6] =	sst s8  }
0x11: {  	[smem:$0x3FB7] =	sst s9;
	s0 =	simm.s32 @!p0 $0x0  }
0x12: {  	s1 =	sld [smem:$0x3F9D];
	s0 =	simm.s32 @p0 $0x1  }
0x13: {  	[smem:$0x3FB8] =	sst s0;
	s0 =	simm.s32 @!p1 $0x0  }
0x14: {  	s2 =	sld [smem:$0x3F9C];
	s0 =	simm.s32 @p1 $0x1  }
0x15: {  	[smem:$0x3FB9] =	sst s0;
	s0 =	simm.s32 @!p2 $0x0  }
0x16: {  	s3 =	sld [smem:$0x3FDB];
	s0 =	simm.s32 @p2 $0x1  }
0x17: {  	s4 =	simm.s32 $0x1BF5;
	[smem:$0x3FBB] =	sst s0  }
0x18: {  	s0 =	sld [smem:$0x3F9E];
	_ =	swait.ge [sflag:s4], $0x0  }
0x19: {  	s7 =	sld [smem:$0x3F9F]  }
0x1a: {  	s8 =	sadd.s32 $0xFFFFE003, lr  }
0x1b: {  	s9 =	sadd.s32 $0xFFFFFEF7, lr;
	s5 =	simm.s32 $0xFFFFFFFF;
	p2 =	slt.u32 s8, $0xFFFFF086  }
0x1c: {  	p1 =	slt.u32 s9, $0xF7A;
	s5 =	simm.s32 @!p2 $0x0  }
0x1d: {  	s5 =	simm.s32 @p1 $0x1;
	p0 =	seq.s32 s7, s2  }
0x1e: {  	s7 =	smul.u32 @!p0 $0xF7A, s2;
	p2 =	seq.s32 @!p0 s5, $0x0  }
0x1f: {  	s9 =	smul.u32 $0xF7A, s1;
	s8 =	simm.s32 @!p0 $0x1BF5;
	p2 =	por !p2, p0  }
0x20: {  	[sflag:s8] =	ssyncset.s32 @!p0 $0xFFFFF086;
	s6 =	sadd.s32 @!p0 s3, s7;
	s7 =	simm.s32 @!p0 $0x108  }
0x21: {  	s3 =	sadd.s32 s3, s9;
	s6 =	sadd.s32 @!p0 $0x88, s6;
	s7 =	simm.s32 @p2 $0x1082  }
0x22: {  	[simem:s7], [sflag:s8] =	dma.local @!p0 [hbm:s6], $0xF7A  }
0x23: {  	s9 =	sor.u32 $0xD0000000, s2;
	s6 =	simm.s32 $0x108;
	_ =	swait.ge @!p0 [sflag:s8], $0x0  }
0x24: {  	s3 =	sadd.s32 $0x88, s3;
	s6 =	simm.s32 @!p1 $0x1082;
	[sflag:s4] =	ssyncset.s32 $0xFFFFF086  }
0x25: {  	[simem:s6], [sflag:s4] =	dma.local [hbm:s3], $0xF7A  }
0x26: {  	[smem:$0x3F9F] =	sst s1;
	(tag) =	ssettag s2;
	_ =	strace s9  }
0x27: {  	s1 =	sld [smem:$0x3FAF]  }
0x28: {  	s2 =	sld [smem:$0x3FB0]  }
0x29: {  	s4 =	sld [smem:$0x3FB2]  }
0x2a: {  	p0 =	seq.s32 s5, $0x0;
	s5 =	sld [smem:$0x3FB3]  }
0x2b: {  	s6 =	sld [smem:$0x3FB4]  }
0x2c: {  	s7 =	sld [smem:$0x3FB5]  }
0x2d: {  	s3 =	simm.s32 $0x108;
	s8 =	sld [smem:$0x3FB6]  }
0x2e: {  	s3 =	simm.s32 @!p0 $0x1082;
	s9 =	sld [smem:$0x3FB7]  }
0x2f: {  	lr =	sadd.s32 s0, s3;
	s0 =	sld [smem:$0x3FAE]  }
0x30: {  	s3 =	sld [smem:$0x3FB1]  }
0x31: {  	[smem:$0x3FBA] =	sst s10  }
0x32: {  	s10 =	sld [smem:$0x3FB8];
	_ =	sdelay $0x3  }
0x33: {  	p0 =	seq.s32 s10, $0x1;
	s10 =	sld [smem:$0x3FBA];
	_ =	sdelay $0x3  }
0x34: {  	[smem:$0x3FBA] =	sst s10  }
0x35: {  	s10 =	sld [smem:$0x3FB9];
	_ =	sdelay $0x3  }
0x36: {  	p1 =	seq.s32 s10, $0x1;
	s10 =	sld [smem:$0x3FBA];
	_ =	sdelay $0x3  }
0x37: {  	[smem:$0x3FBA] =	sst s10  }
0x38: {  	s10 =	sld [smem:$0x3FBB]  }
0x39: {  	_ = 	snop;
	(pc) =	sbr.ind lr, $3  }
0x3a: {  	_ = 	snop  }
0x3b: {  	_ = 	snop  }
0x3c: {  	p2 =	seq.s32 s10, $0x1;
	s10 =	sld [smem:$0x3FBA]  }
0x3d: {  	_ =	shalt  }
0x3e: {  	_ =	shalt  }
0x3f: {  	_ =	shalt  }
0x40: {  	_ =	shalt  }
0x41: {  	_ =	shalt  }
0x42: {  	_ =	shalt  }
0x43: {  	_ =	shalt  }
0x44: {  	_ =	shalt  }
0x45: {  	_ =	shalt  }
0x46: {  	_ =	shalt  }
0x47: {  	_ =	shalt  }
0x48: {  	_ =	shalt  }
0x49: {  	_ =	shalt  }
0x4a: {  	_ =	shalt  }
0x4b: {  	_ =	shalt  }
0x4c: {  	_ =	shalt  }
0x4d: {  	_ =	shalt  }
0x4e: {  	_ =	shalt  }
0x4f: {  	_ =	shalt  }
0x50: {  	_ =	shalt  }
0x51: {  	_ =	shalt  }
0x52: {  	_ =	shalt  }
0x53: {  	_ =	shalt  }
0x54: {  	_ =	shalt  }
0x55: {  	_ =	shalt  }
0x56: {  	_ =	shalt  }
0x57: {  	_ =	shalt  }
0x58: {  	_ =	shalt  }
0x59: {  	_ =	shalt  }
0x5a: {  	_ =	shalt  }
0x5b: {  	_ =	shalt  }
0x5c: {  	_ =	shalt  }
0x5d: {  	_ =	shalt  }
0x5e: {  	_ =	shalt  }
0x5f: {  	_ =	shalt  }
0x60: {  	_ =	shalt  }
0x61: {  	_ =	shalt  }
0x62: {  	_ =	shalt  }
0x63: {  	_ =	shalt  }
0x64: {  	_ =	shalt  }
0x65: {  	_ =	shalt  }
0x66: {  	_ =	shalt  }
0x67: {  	_ =	shalt  }
0x68: {  	_ =	shalt  }
0x69: {  	_ =	shalt  }
0x6a: {  	_ =	shalt  }
0x6b: {  	_ =	shalt  }
0x6c: {  	_ =	shalt  }
0x6d: {  	_ =	shalt  }
0x6e: {  	_ =	shalt  }
0x6f: {  	_ =	shalt  }
0x70: {  	_ =	shalt  }
0x71: {  	_ =	shalt  }
0x72: {  	_ =	shalt  }
0x73: {  	_ =	shalt  }
0x74: {  	_ =	shalt  }
0x75: {  	_ =	shalt  }
0x76: {  	_ =	shalt  }
0x77: {  	_ =	shalt  }
0x78: {  	_ =	shalt  }
0x79: {  	_ =	shalt  }
0x7a: {  	_ =	shalt  }
0x7b: {  	_ =	shalt  }
0x7c: {  	_ =	shalt  }
0x7d: {  	_ =	shalt  }
0x7e: {  	_ =	shalt  }
0x7f: {  	_ =	shalt  }
0x80: {  	_ =	shalt  }
0x81: {  	_ =	shalt  }
0x82: {  	_ =	shalt  }
0x83: {  	_ =	shalt  }
0x84: {  	_ =	shalt  }
0x85: {  	_ =	shalt  }
0x86: {  	_ =	shalt  }
0x87: {  	_ =	shalt  }
.Lfunc_end0:
.L_simem_size_0:
called_computation_lowered:
.L_overlay_start_0:
0x88: {  	s2 =	sld [smem:$0x3FD9]  }
0x89: {  	s3 =	sld [smem:$0x3FFE];
	_ =	sdelay $0x1  }
0x8a: {  	s1 =	srdreg.scid  }
0x8b: {  	s0 =	sand.u32 $0x1, s1  }
0x8c: {  	s14 =	sshll.u32 s0, $0xA;
	s2 =	sadd.s32 s3, s2  }
0x8d: {  	s2 =	sadd.s32 s2, s14  }
0x8e: {  	[smem:$0x3FC6] =	sst s2  }
0x8f: {  	_ = 	snop  }
0x90: {  	s2 =	sld [smem:$0x3FD0];
	_ =	sdelay $0x2  }
0x91: {  	s15 =	simm.s32 $0xA;
	s4 =	simm.s32 $0x10  }
0x92: {  	[smem:s4], [sflag:s15] =	dma.local [hbm:s2], $0x1  }
0x93: {  	_ =	swait.eq [sflag:s15], $0x1  }
0x94: {  	[sflag:s15] =	ssyncset.done $0x0  }
0x95: {  	s16 =	sld [smem:$0x10];
	[sflag:s15] =	ssyncadd.s32 $0xFFFFFFFF  }
0x96: {  	s17 =	sld [smem:$0x11];
	(tm) =	ssettm $0x1  }
0x97: {  	s18 =	sld [smem:$0x3FFB];
	_ =	sdelay $0x3  }
0x98: {  	_ =	strace s18  }
0x99: {  	s4 =	sld [smem:$0x3FFC];
	_ =	sdelay $0x3  }
0x9a: {  	_ =	strace s4  }
0x9b: {  	s4 =	sld [smem:$0x3FFD];
	_ =	sdelay $0x3  }
0x9c: {  	_ =	strace s4  }
0x9d: {  	_ =	strace $0x8FFFFFFF  }
0x9e: {  	s19 =	sld [smem:$0x3FDB];
	_ =	sdelay $0x1  }
0x9f: {  	s5 =	simm.s32 $_scs_section_size  }
0xa0: {  	s6 =	simm.s32 $_size__tile_overlayer_lowered;
	s7 =	simm.s32 $_tile_overlayer_lowered  }
0xa1: {  	s22 =	simm.s32 $0x1BFF;
	s21 =	sshll.u32 s7, $0x1;
	s4 =	sadd.s32 s5, s19  }
0xa2: {  	s8 =	simm.s32 $0x0;
	s20 =	sshll.u32 s6, $0x1;
	s6 =	sadd.s32 s21, s4  }
0xa3: {  	[timem:s8], [sflag:s22] =	dma.local [hbm:s6], s20  }
0xa4: {  	_ =	swait.ge [sflag:s22], s20  }
0xa5: {  	s5 =	ssub.s32 $0x0, s20;
	[sflag:s22] =	ssyncset.done $0x0  }
0xa6: {  	[sflag:s22] =	ssyncadd.s32 s5;
	_ =	sdelay $0x1  }
0xa7: {  	s23 =	simm.s32 $0x1B8B  }
0xa8: {  	_ =	swait.ge [sflag:s23], $0x1  }
0xa9: {  	[sflag:s23] =	ssyncset.done $0x0  }
0xaa: {  	s25 =	simm.s32 $0x1B8E;
	s24 =	sld [smem:$0x3FFE];
	[sflag:s23] =	ssyncadd.s32 $0xFFFFFFFF  }
0xab: {  	s26 =	simm.s32 $execute0_lowered;
	[smem:$0x3FD2] =	sst s25  }
0xac: {  	s6 =	sshll.u32 s26, $0x1;
	_ =	strace $0x80000046;
	[dreg:$0x1] =	wrdreg $0xFFFFFFFF  }
0xad: {  	s28 =	simm.s32 $_size_execute0_lowered;
	s4 =	sadd.s32 s4, s6;
	[dreg:$0x0] =	wrdreg $0x0  }
0xae: {  	s6 =	sshll.u32 s28, $0x1;
	[dreg:$0x2] =	wrdreg s4  }
0xaf: {  	[dreg:$0x3] =	wrdreg s6  }
0xb0: {  	[dreg:$0x4] =	wrdreg $0xC0  }
0xb1: {  	_ =	task [dreg:s8], $0x5FFFF  }
0xb2: {  	[dreg:$0x1] =	wrdreg $0xFFFFFFFF  }
0xb3: {  	[dreg:$0x0] =	wrdreg $0x60  }
0xb4: {  	[dreg:$0x2] =	wrdreg s24  }
0xb5: {  	[dreg:$0x3] =	wrdreg s16  }
0xb6: {  	[dreg:$0x4] =	wrdreg s17  }
0xb7: {  	[dreg:$0x5] =	wrdreg $0x9  }
0xb8: {  	_ =	task.clear_ibuf [dreg:s8], $0x6FFFF;
	_ =	strace $0x90000046  }
0xb9: {  	s29 =	simm.s32 $0x9;
	_ =	strace $0x80000048  }
0xba: {  	_ =	swait.ge [sflag:s29], $0x1  }
0xbb: {  	[sflag:s29] =	ssyncadd.s32 $0xFFFFFFFF  }
0xbc: {  	_ =	strace $0x90000048  }
0xbd: {  	_ =	sfence  }
0xbe: {  	s30 =	sld [smem:$0x0];
	_ =	sdelay $0x2  }
0xbf: {  	s31 =	sshll.u32 s1, $0xD;
	s1 =	sshrl.u32 s1, $0x2  }
0xc0: {  	s3 =	sand.u32 $0x4000, s31;
	s1 =	sadd.s32 s1, s30  }
0xc1: {  	s0 =	sor.u32 s3, s0;
	s1 =	sshll.u32 s1, $0x11  }
0xc2: {  	s0 =	sor.u32 s1, s0  }
0xc3: {  	s0 =	sadd.s32 $0x8F2B, s0  }
0xc4: {  	[sflag:s0] =	ssyncadd.remote.s32 $0x1  }
0xc5: {  	_ =	sfence.sel $0xFFFF  }
0xc6: {  	[dreg:$0x0] =	wrdreg $0xFFFFFFFF;
	(pc) =	sbr.abs _section_cstart, $3  }
0xc7: {  	[dreg:$0x1] =	wrdreg $0xFFFFFFFF  }
0xc8: {  	_ =	task.clear_ibuf [dreg:s8], $0x2FFFF;
	_ =	strace $0x9FFFFFFF  }
0xc9: {  	(tm) =	ssettm $0x7FFFFFFF  }
tec
execute0_lowered:
.L_overlay_start_1:
0x0: {  	(tag) =	ssettag $0x1  }
0x1: {  	s4 =	rddreg [dreg:$0x0]  }
0x2: {  	s3 =	rddreg [dreg:$0x1]  }
0x3: {  	s7 =	rddreg [dreg:$0x2];
	s2 =	simm.s32 $0x0  }
0x4: {  	[smem:$0x7FF] =	sst s2;
	s6 =	sadd.s32 $0xF5E00, s4  }
0x5: {  	s9 =	sadd.s32 $0xF5C00, s4;
	_ =	strace $0x80000047;
	[dreg:$0x4] =	wrdreg s6  }
0x6: {  	s11 =	sadd.s32 $0x1EA200, s4;
	[dreg:$0x5] =	wrdreg s9  }
0x7: {  	s29 =	simm.s32 $0x1880;
	[dreg:$0x6] =	wrdreg s11  }
0x8: {  	s30 =	simm.s32 $0x100;
	[dreg:$0xb] =	wrdreg s29  }
0x9: {  	s31 =	simm.s32 $0x1900;
	[dreg:$0xc] =	wrdreg s30  }
0xa: {  	s0 =	simm.s32 $0x180;
	[dreg:$0xd] =	wrdreg s31  }
0xb: {  	s13 =	simm.s32 $0x1B00;
	[dreg:$0xe] =	wrdreg s0  }
0xc: {  	s14 =	simm.s32 $0x380;
	[dreg:$0x15] =	wrdreg s13  }
0xd: {  	s15 =	simm.s32 $0x1B80;
	[dreg:$0x16] =	wrdreg s14  }
0xe: {  	s16 =	simm.s32 $0x400;
	[dreg:$0x17] =	wrdreg s15  }
0xf: {  	s17 =	simm.s32 $0x1C00;
	[dreg:$0x18] =	wrdreg s16  }
0x10: {  	s18 =	simm.s32 $0x480;
	[dreg:$0x19] =	wrdreg s17  }
0x11: {  	s19 =	simm.s32 $0x1C80;
	[dreg:$0x1a] =	wrdreg s18  }
0x12: {  	s20 =	simm.s32 $0x500;
	[dreg:$0x1b] =	wrdreg s19  }
0x13: {  	s21 =	simm.s32 $0x1D00;
	[dreg:$0x1c] =	wrdreg s20  }
0x14: {  	s22 =	simm.s32 $0x580;
	[dreg:$0x1d] =	wrdreg s21  }
0x15: {  	s23 =	simm.s32 $0x1D80;
	[dreg:$0x1e] =	wrdreg s22  }
0x16: {  	s24 =	simm.s32 $0x600;
	[dreg:$0x1f] =	wrdreg s23  }
0x17: {  	s11 =	simm.s32 $0x1A80;
	[smem:$0x7C6] =	sst s24  }
0x18: {  	s29 =	simm.s32 $0x700;
	[dreg:$0x13] =	wrdreg s11  }
0x19: {  	s30 =	simm.s32 $0x1F00;
	[smem:$0x7CA] =	sst s29  }
0x1a: {  	s31 =	simm.s32 $0x780;
	[smem:$0x7CB] =	sst s30  }
0x1b: {  	s0 =	simm.s32 $0x1F80;
	[smem:$0x7CC] =	sst s31  }
0x1c: {  	s13 =	simm.s32 $0xA00;
	[smem:$0x7CD] =	sst s0  }
0x1d: {  	s14 =	simm.s32 $0x2200;
	[smem:$0x7D4] =	sst s13  }
0x1e: {  	s15 =	simm.s32 $0xA80;
	[smem:$0x7D5] =	sst s14  }
0x1f: {  	s16 =	simm.s32 $0x2280;
	[smem:$0x7D6] =	sst s15  }
0x20: {  	s17 =	simm.s32 $0xB00;
	[smem:$0x7D7] =	sst s16  }
0x21: {  	s18 =	simm.s32 $0x2300;
	[smem:$0x7D8] =	sst s17  }
0x22: {  	s19 =	simm.s32 $0xB80;
	[smem:$0x7D9] =	sst s18  }
0x23: {  	s20 =	simm.s32 $0x2380;
	[smem:$0x7DA] =	sst s19  }
0x24: {  	s21 =	simm.s32 $0xC00;
	[smem:$0x7DB] =	sst s20  }
0x25: {  	s22 =	simm.s32 $0x2400;
	[smem:$0x7DC] =	sst s21  }
0x26: {  	s23 =	simm.s32 $0xC80;
	[smem:$0x7DD] =	sst s22  }
0x27: {  	s24 =	simm.s32 $0x2480;
	[smem:$0x7DE] =	sst s23  }
0x28: {  	s11 =	simm.s32 $0x980;
	[smem:$0x7DF] =	sst s24  }
0x29: {  	s29 =	simm.s32 $0x2580;
	[smem:$0x7D2] =	sst s11  }
0x2a: {  	s30 =	simm.s32 $0xE00;
	[smem:$0x7E3] =	sst s29  }
0x2b: {  	s31 =	simm.s32 $0x2600;
	[smem:$0x7E4] =	sst s30  }
0x2c: {  	s0 =	simm.s32 $0xE80;
	[smem:$0x7E5] =	sst s31  }
0x2d: {  	s13 =	simm.s32 $0x2800;
	[smem:$0x7E6] =	sst s0  }
0x2e: {  	s14 =	simm.s32 $0x1080;
	[smem:$0x7ED] =	sst s13  }
0x2f: {  	s15 =	simm.s32 $0x2880;
	[smem:$0x7EE] =	sst s14  }
0x30: {  	s16 =	simm.s32 $0x1100;
	[smem:$0x7EF] =	sst s15  }
0x31: {  	s17 =	simm.s32 $0x2900;
	[smem:$0x7F0] =	sst s16  }
0x32: {  	s5 =	srdreg.scid;
	s18 =	simm.s32 $0x1180;
	[smem:$0x7F1] =	sst s17  }
0x33: {  	s1 =	stileid.u32;
	s19 =	simm.s32 $0x2980;
	[smem:$0x7F2] =	sst s18  }
0x34: {  	s5 =	sand.u32 $0x1, s5;
	s20 =	simm.s32 $0x1200;
	[smem:$0x7F3] =	sst s19  }
0x35: {  	s8 =	sshll.u32 s1, $0x1;
	s21 =	simm.s32 $0x2A00;
	[smem:$0x7F4] =	sst s20  }
0x36: {  	s6 =	sor.u32 s5, s8;
	s22 =	simm.s32 $0x1280;
	[smem:$0x7F5] =	sst s21  }
0x37: {  	s8 =	sshll.u32 s6, $0x8;
	s24 =	simm.s32 $0x2A80;
	[smem:$0x7F6] =	sst s22  }
0x38: {  	s10 =	sshll.u32 s6, $0x9;
	s3 =	sadd.s32 s3, s8;
	[smem:$0x7F7] =	sst s24  }
0x39: {  	s28 =	sadd.s32 s7, s10;
	[dreg:$0x9] =	wrdreg s3  }
0x3a: {  	s7 =	simm.s32 $0x1980;
	[dreg:$0xa] =	wrdreg s28  }
0x3b: {  	s25 =	sadd.s32 s8, s4;
	s8 =	simm.s32 $0x200;
	[dreg:$0xf] =	wrdreg s7  }
0x3c: {  	s12 =	sadd.s32 s10, s4;
	s10 =	simm.s32 $0x280;
	[dreg:$0x10] =	wrdreg s8  }
0x3d: {  	s11 =	simm.s32 $0x2780;
	[dreg:$0x12] =	wrdreg s10  }
0x3e: {  	s29 =	simm.s32 $0x2B80;
	[smem:$0x7EB] =	sst s11  }
0x3f: {  	s5 =	ssub.s32 $0x2, s5;
	s30 =	simm.s32 $0x1400;
	[smem:$0x7FB] =	sst s29  }
0x40: {  	s23 =	sshrl.u32 s5, $0x1;
	s31 =	simm.s32 $0x2C00;
	[smem:$0x7FC] =	sst s30  }
0x41: {  	p0 =	sne.s32 s6, $0x2;
	s9 =	sadd.s32 $0x1EE400, s25;
	[smem:$0x7FD] =	sst s31  }
0x42: {  	s6 =	simm.s32 $0x2;
	s26 =	sadd.s32 $0x1EA400, s12;
	[dreg:$0x7] =	wrdreg s9  }
0x43: {  	s5 =	ssub.s32 s5, s23;
	s12 =	simm.s32 $0x300;
	[dreg:$0x8] =	wrdreg s26  }
0x44: {  	s13 =	simm.s32 $0x1500;
	s25 =	simm.s32 $0x1E00;
	[dreg:$0x14] =	wrdreg s12  }
0x45: {  	s14 =	simm.s32 $0x2D00;
	s28 =	simm.s32 $0x1E80;
	[smem:$0x7C7] =	sst s25  }
0x46: {  	s15 =	simm.s32 $0x1580;
	s7 =	simm.s32 $0x880;
	[smem:$0x7C9] =	sst s28  }
0x47: {  	s16 =	simm.s32 $0x2D80;
	s8 =	simm.s32 $0x2080;
	[smem:$0x7CE] =	sst s7  }
0x48: {  	s17 =	simm.s32 $0x1600;
	s10 =	simm.s32 $0x2100;
	[smem:$0x7CF] =	sst s8  }
0x49: {  	s18 =	simm.s32 $0x2E00;
	s9 =	simm.s32 $0x1A00;
	[smem:$0x7D1] =	sst s10  }
0x4a: {  	s19 =	simm.s32 $0x1680;
	s26 =	simm.s32 $0x680;
	[dreg:$0x11] =	wrdreg s9  }
0x4b: {  	s20 =	simm.s32 $0x2E80;
	s12 =	simm.s32 $0x2180;
	[smem:$0x7C8] =	sst s26  }
0x4c: {  	s21 =	simm.s32 $0x1700;
	s25 =	simm.s32 $0xD00;
	[smem:$0x7D3] =	sst s12  }
0x4d: {  	s22 =	simm.s32 $0x2F00;
	s28 =	simm.s32 $0xD80;
	[smem:$0x7E0] =	sst s25  }
0x4e: {  	s23 =	simm.s32 $0x1780;
	s7 =	simm.s32 $0x2680;
	[smem:$0x7E2] =	sst s28  }
0x4f: {  	s24 =	simm.s32 $0x2F80;
	s8 =	simm.s32 $0xF00;
	[smem:$0x7E7] =	sst s7  }
0x50: {  	s3 =	sadd.s32 $0xF6000, s4;
	s10 =	simm.s32 $0xF80;
	[smem:$0x7E8] =	sst s8  }
0x51: {  	s4 =	sadd.s32 $0x1A00, s4;
	s9 =	simm.s32 $0x900;
	[smem:$0x7EA] =	sst s10  }
0x52: {  	s5 =	smax.u32 s5, $0x1;
	s26 =	simm.s32 $0x2500;
	[smem:$0x7D0] =	sst s9  }
0x53: {  	s11 =	simm.s32 $0x1480;
	s12 =	simm.s32 $0x1000;
	[smem:$0x7E1] =	sst s26  }
0x54: {  	s25 =	simm.s32 $0x1300;
	s28 =	simm.s32 $0x1380;
	[smem:$0x7EC] =	sst s12  }
0x55: {  	s7 =	simm.s32 $0x800;
	s8 =	simm.s32 $0x80;
	[smem:$0x7F8] =	sst s25  }
0x56: {  	s10 =	simm.s32 $0x2000;
	s9 =	simm.s32 $0x2700;
	[smem:$0x7FA] =	sst s28  }
0x57: {  	s26 =	simm.s32 $0x2B00;
	s12 =	simm.s32 $0x2C80;
	[smem:$0x7E9] =	sst s9  }
0x58: {  	s25 =	simm.s32 $0x1;
	[smem:$0x7F9] =	sst s26;
	s9 =	simm.s32 $0x1800  }
.LBB2_1:
0x59: {  	s26 =	rddreg [dreg:$0x7]  }
0x5a: {  	[tilespmem:s2], [sflag:$0x2] =	stream.linear.gather [hbm4b:s26+s2], $0x800, $0x38;
	[tilespmem:$0x3360] =	vst v63  }
0x5b: {  	_ =	swait.ge [sflag:s6], $0x800  }
0x5c: {  	[sflag:s6] =	ssyncset.done $0x0  }
0x5d: {  	s30 =	rddreg [dreg:$0x8];
	[sflag:s6] =	ssyncadd.s32 $0xFFFFF800  }
0x5e: {  	[tilespmem:s7], [sflag:$0x2] =	stream.linear.gather [hbm4b:s30+s2], $0x1000, $0x38;
	[tilespmem:$0x3360] =	vst v63  }
0x5f: {  	_ =	swait.ge [sflag:s6], $0x1000  }
0x60: {  	s31 =	rddreg [dreg:$0xb]  }
0x61: {  	s0 =	rddreg [dreg:$0xc]  }
0x62: {  	s28 =	rddreg [dreg:$0xd]  }
0x63: {  	[sflag:s6] =	ssyncset.done $0x0;
	s29 =	rddreg [dreg:$0xe]  }
0x64: {  	s30 =	rddreg [dreg:$0xf];
	[sflag:s6] =	ssyncadd.s32 $0xFFFFF000  }
0x65: {  	[tilespmem:s9], [sflag:$0x1] =	stream.indirect.gather [hbm4b:s3+s8], $0x1, s2, s8, $0xb8;
	[tilespmem:$0x3360] =	vst v63  }
0x66: {  	s26 =	rddreg [dreg:$0x10]  }
0x67: {  	[tilespmem:s31], [sflag:$0x1] =	stream.indirect.gather [hbm4b:s3+s8], $0x1, s8, s8, $0xb8;
	[tilespmem:$0x3360] =	vst v63  }
0x68: {  	s31 =	rddreg [dreg:$0x12]  }
0x69: {  	[tilespmem:s28], [sflag:$0x1] =	stream.indirect.gather [hbm4b:s3+s8], $0x1, s0, s8, $0xb8;
	[tilespmem:$0x3360] =	vst v63  }
0x6a: {  	s28 =	rddreg [dreg:$0x11]  }
0x6b: {  	[tilespmem:s30], [sflag:$0x1] =	stream.indirect.gather [hbm4b:s3+s8], $0x1, s29, s8, $0xb8;
	[tilespmem:$0x3360] =	vst v63  }
0x6c: {  	s0 =	rddreg [dreg:$0x13]  }
0x6d: {  	[tilespmem:s28], [sflag:$0x1] =	stream.indirect.gather [hbm4b:s3+s8], $0x1, s26, s8, $0xb8;
	[tilespmem:$0x3360] =	vst v63  }
0x6e: {  	s26 =	rddreg [dreg:$0x14]  }
0x6f: {  	s28 =	rddreg [dreg:$0x15]  }
0x70: {  	[tilespmem:s0], [sflag:$0x1] =	stream.indirect.gather [hbm4b:s3+s8], $0x1, s31, s8, $0xb8;
	[tilespmem:$0x3360] =	vst v63  }
0x71: {  	s31 =	rddreg [dreg:$0x16]  }
0x72: {  	s0 =	rddreg [dreg:$0x17]  }
0x73: {  	[tilespmem:s28], [sflag:$0x1] =	stream.indirect.gather [hbm4b:s3+s8], $0x1, s26, s8, $0xb8;
	[tilespmem:$0x3360] =	vst v63  }
0x74: {  	s26 =	rddreg [dreg:$0x18]  }
0x75: {  	s28 =	rddreg [dreg:$0x19]  }
0x76: {  	[tilespmem:s0], [sflag:$0x1] =	stream.indirect.gather [hbm4b:s3+s8], $0x1, s31, s8, $0xb8;
	[tilespmem:$0x3360] =	vst v63  }
0x77: {  	s31 =	rddreg [dreg:$0x1a]  }
0x78: {  	s0 =	rddreg [dreg:$0x1b]  }
0x79: {  	[tilespmem:s28], [sflag:$0x1] =	stream.indirect.gather [hbm4b:s3+s8], $0x1, s26, s8, $0xb8;
	[tilespmem:$0x3360] =	vst v63  }
0x7a: {  	s26 =	rddreg [dreg:$0x1c]  }
0x7b: {  	s28 =	rddreg [dreg:$0x1d]  }
0x7c: {  	[tilespmem:s0], [sflag:$0x1] =	stream.indirect.gather [hbm4b:s3+s8], $0x1, s31, s8, $0xb8;
	[tilespmem:$0x3360] =	vst v63  }
0x7d: {  	s31 =	rddreg [dreg:$0x1e]  }
0x7e: {  	s0 =	rddreg [dreg:$0x1f]  }
0x7f: {  	[tilespmem:s28], [sflag:$0x1] =	stream.indirect.gather [hbm4b:s3+s8], $0x1, s26, s8, $0xb8;
	[tilespmem:$0x3360] =	vst v63  }
0x80: {  	s26 =	sld [smem:$0x7C6]  }
0x81: {  	s28 =	sld [smem:$0x7C7]  }
0x82: {  	[tilespmem:s0], [sflag:$0x1] =	stream.indirect.gather [hbm4b:s3+s8], $0x1, s31, s8, $0xb8;
	[tilespmem:$0x3360] =	vst v63  }
0x83: {  	s31 =	sld [smem:$0x7C8]  }
0x84: {  	s0 =	sld [smem:$0x7C9]  }
0x85: {  	[tilespmem:s28], [sflag:$0x1] =	stream.indirect.gather [hbm4b:s3+s8], $0x1, s26, s8, $0xb8;
	[tilespmem:$0x3360] =	vst v63  }
0x86: {  	s26 =	sld [smem:$0x7CA]  }
0x87: {  	s28 =	sld [smem:$0x7CB]  }
0x88: {  	[tilespmem:s0], [sflag:$0x1] =	stream.indirect.gather [hbm4b:s3+s8], $0x1, s31, s8, $0xb8;
	[tilespmem:$0x3360] =	vst v63  }
0x89: {  	s31 =	sld [smem:$0x7CC]  }
0x8a: {  	s0 =	sld [smem:$0x7CD]  }
0x8b: {  	[tilespmem:s28], [sflag:$0x1] =	stream.indirect.gather [hbm4b:s3+s8], $0x1, s26, s8, $0xb8;
	[tilespmem:$0x3360] =	vst v63  }
0x8c: {  	s26 =	sld [smem:$0x7CE]  }
0x8d: {  	s28 =	sld [smem:$0x7CF]  }
0x8e: {  	[tilespmem:s0], [sflag:$0x1] =	stream.indirect.gather [hbm4b:s3+s8], $0x1, s31, s8, $0xb8;
	[tilespmem:$0x3360] =	vst v63  }
0x8f: {  	s31 =	sld [smem:$0x7D0]  }
0x90: {  	[tilespmem:s10], [sflag:$0x1] =	stream.indirect.gather [hbm4b:s4+s8], $0x1, s7, s8, $0xb8;
	[tilespmem:$0x3360] =	vst v63  }
0x91: {  	s0 =	sld [smem:$0x7D1]  }
0x92: {  	[tilespmem:s28], [sflag:$0x1] =	stream.indirect.gather [hbm4b:s4+s8], $0x1, s26, s8, $0xb8;
	[tilespmem:$0x3360] =	vst v63  }
0x93: {  	s26 =	sld [smem:$0x7D2]  }
0x94: {  	s28 =	sld [smem:$0x7D3]  }
0x95: {  	[tilespmem:s0], [sflag:$0x1] =	stream.indirect.gather [hbm4b:s4+s8], $0x1, s31, s8, $0xb8;
	[tilespmem:$0x3360] =	vst v63  }
0x96: {  	s31 =	sld [smem:$0x7D4]  }
0x97: {  	s0 =	sld [smem:$0x7D5]  }
0x98: {  	[tilespmem:s28], [sflag:$0x1] =	stream.indirect.gather [hbm4b:s4+s8], $0x1, s26, s8, $0xb8;
	[tilespmem:$0x3360] =	vst v63  }
0x99: {  	s26 =	sld [smem:$0x7D6]  }
0x9a: {  	s28 =	sld [smem:$0x7D7]  }
0x9b: {  	[tilespmem:s0], [sflag:$0x1] =	stream.indirect.gather [hbm4b:s4+s8], $0x1, s31, s8, $0xb8;
	[tilespmem:$0x3360] =	vst v63  }
0x9c: {  	s31 =	sld [smem:$0x7D8]  }
0x9d: {  	s0 =	sld [smem:$0x7D9]  }
0x9e: {  	[tilespmem:s28], [sflag:$0x1] =	stream.indirect.gather [hbm4b:s4+s8], $0x1, s26, s8, $0xb8;
	[tilespmem:$0x3360] =	vst v63  }
0x9f: {  	s26 =	sld [smem:$0x7DA]  }
0xa0: {  	s28 =	sld [smem:$0x7DB]  }
0xa1: {  	[tilespmem:s0], [sflag:$0x1] =	stream.indirect.gather [hbm4b:s4+s8], $0x1, s31, s8, $0xb8;
	[tilespmem:$0x3360] =	vst v63  }
0xa2: {  	s31 =	sld [smem:$0x7DC]  }
0xa3: {  	s0 =	sld [smem:$0x7DD]  }
0xa4: {  	[tilespmem:s28], [sflag:$0x1] =	stream.indirect.gather [hbm4b:s4+s8], $0x1, s26, s8, $0xb8;
	[tilespmem:$0x3360] =	vst v63  }
0xa5: {  	s26 =	sld [smem:$0x7DE]  }
0xa6: {  	s28 =	sld [smem:$0x7DF]  }
0xa7: {  	[tilespmem:s0], [sflag:$0x1] =	stream.indirect.gather [hbm4b:s4+s8], $0x1, s31, s8, $0xb8;
	[tilespmem:$0x3360] =	vst v63  }
0xa8: {  	s31 =	sld [smem:$0x7E0]  }
0xa9: {  	s0 =	sld [smem:$0x7E1]  }
0xaa: {  	[tilespmem:s28], [sflag:$0x1] =	stream.indirect.gather [hbm4b:s4+s8], $0x1, s26, s8, $0xb8;
	[tilespmem:$0x3360] =	vst v63  }
0xab: {  	s26 =	sld [smem:$0x7E2]  }
0xac: {  	s28 =	sld [smem:$0x7E3]  }
0xad: {  	[tilespmem:s0], [sflag:$0x1] =	stream.indirect.gather [hbm4b:s4+s8], $0x1, s31, s8, $0xb8;
	[tilespmem:$0x3360] =	vst v63  }
0xae: {  	s31 =	sld [smem:$0x7E4]  }
0xaf: {  	s0 =	sld [smem:$0x7E5]  }
0xb0: {  	[tilespmem:s28], [sflag:$0x1] =	stream.indirect.gather [hbm4b:s4+s8], $0x1, s26, s8, $0xb8;
	[tilespmem:$0x3360] =	vst v63  }
0xb1: {  	s26 =	sld [smem:$0x7E6]  }
0xb2: {  	s28 =	sld [smem:$0x7E7]  }
0xb3: {  	[tilespmem:s0], [sflag:$0x1] =	stream.indirect.gather [hbm4b:s4+s8], $0x1, s31, s8, $0xb8;
	[tilespmem:$0x3360] =	vst v63  }
0xb4: {  	s31 =	sld [smem:$0x7E8]  }
0xb5: {  	s0 =	sld [smem:$0x7E9]  }
0xb6: {  	[tilespmem:s28], [sflag:$0x1] =	stream.indirect.gather [hbm4b:s4+s8], $0x1, s26, s8, $0xb8;
	[tilespmem:$0x3360] =	vst v63  }
0xb7: {  	s26 =	sld [smem:$0x7EA]  }
0xb8: {  	s28 =	sld [smem:$0x7EB]  }
0xb9: {  	[tilespmem:s0], [sflag:$0x1] =	stream.indirect.gather [hbm4b:s4+s8], $0x1, s31, s8, $0xb8;
	[tilespmem:$0x3360] =	vst v63  }
0xba: {  	s31 =	sld [smem:$0x7EC]  }
0xbb: {  	s0 =	sld [smem:$0x7ED]  }
0xbc: {  	[tilespmem:s28], [sflag:$0x1] =	stream.indirect.gather [hbm4b:s4+s8], $0x1, s26, s8, $0xb8;
	[tilespmem:$0x3360] =	vst v63  }
0xbd: {  	s26 =	sld [smem:$0x7EE]  }
0xbe: {  	s28 =	sld [smem:$0x7EF]  }
0xbf: {  	[tilespmem:s0], [sflag:$0x1] =	stream.indirect.gather [hbm4b:s4+s8], $0x1, s31, s8, $0xb8;
	[tilespmem:$0x3360] =	vst v63  }
0xc0: {  	s31 =	sld [smem:$0x7F0]  }
0xc1: {  	s0 =	sld [smem:$0x7F1]  }
0xc2: {  	[tilespmem:s28], [sflag:$0x1] =	stream.indirect.gather [hbm4b:s4+s8], $0x1, s26, s8, $0xb8;
	[tilespmem:$0x3360] =	vst v63  }
0xc3: {  	s26 =	sld [smem:$0x7F2]  }
0xc4: {  	s28 =	sld [smem:$0x7F3]  }
0xc5: {  	[tilespmem:s0], [sflag:$0x1] =	stream.indirect.gather [hbm4b:s4+s8], $0x1, s31, s8, $0xb8;
	[tilespmem:$0x3360] =	vst v63  }
0xc6: {  	s31 =	sld [smem:$0x7F4]  }
0xc7: {  	s0 =	sld [smem:$0x7F5]  }
0xc8: {  	[tilespmem:s28], [sflag:$0x1] =	stream.indirect.gather [hbm4b:s4+s8], $0x1, s26, s8, $0xb8;
	[tilespmem:$0x3360] =	vst v63  }
0xc9: {  	s26 =	sld [smem:$0x7F6]  }
0xca: {  	s28 =	sld [smem:$0x7F7]  }
0xcb: {  	[tilespmem:s0], [sflag:$0x1] =	stream.indirect.gather [hbm4b:s4+s8], $0x1, s31, s8, $0xb8;
	[tilespmem:$0x3360] =	vst v63  }
0xcc: {  	s31 =	sld [smem:$0x7F8]  }
0xcd: {  	s0 =	sld [smem:$0x7F9]  }
0xce: {  	[tilespmem:s28], [sflag:$0x1] =	stream.indirect.gather [hbm4b:s4+s8], $0x1, s26, s8, $0xb8;
	[tilespmem:$0x3360] =	vst v63  }
0xcf: {  	s26 =	sld [smem:$0x7FA]  }
0xd0: {  	s28 =	sld [smem:$0x7FB]  }
0xd1: {  	[tilespmem:s0], [sflag:$0x1] =	stream.indirect.gather [hbm4b:s4+s8], $0x1, s31, s8, $0xb8;
	[tilespmem:$0x3360] =	vst v63  }
0xd2: {  	s31 =	sld [smem:$0x7FC]  }
0xd3: {  	s0 =	sld [smem:$0x7FD]  }
0xd4: {  	[tilespmem:s28], [sflag:$0x1] =	stream.indirect.gather [hbm4b:s4+s8], $0x1, s26, s8, $0xb8;
	[tilespmem:$0x3360] =	vst v63  }
0xd5: {  	_ = 	snop  }
0xd6: {  	[tilespmem:s0], [sflag:$0x1] =	stream.indirect.gather [hbm4b:s4+s8], $0x1, s31, s8, $0xb8;
	[tilespmem:$0x3360] =	vst v63  }
0xd7: {  	_ = 	snop  }
0xd8: {  	[tilespmem:s12], [sflag:$0x1] =	stream.indirect.gather [hbm4b:s4+s8], $0x1, s11, s8, $0xb8;
	[tilespmem:$0x3360] =	vst v63  }
0xd9: {  	_ = 	snop  }
0xda: {  	[tilespmem:s14], [sflag:$0x1] =	stream.indirect.gather [hbm4b:s4+s8], $0x1, s13, s8, $0xb8;
	[tilespmem:$0x3360] =	vst v63  }
0xdb: {  	_ = 	snop  }
0xdc: {  	[tilespmem:s16], [sflag:$0x1] =	stream.indirect.gather [hbm4b:s4+s8], $0x1, s15, s8, $0xb8;
	[tilespmem:$0x3360] =	vst v63  }
0xdd: {  	_ = 	snop  }
0xde: {  	[tilespmem:s18], [sflag:$0x1] =	stream.indirect.gather [hbm4b:s4+s8], $0x1, s17, s8, $0xb8;
	[tilespmem:$0x3360] =	vst v63  }
0xdf: {  	_ = 	snop  }
0xe0: {  	[tilespmem:s20], [sflag:$0x1] =	stream.indirect.gather [hbm4b:s4+s8], $0x1, s19, s8, $0xb8;
	[tilespmem:$0x3360] =	vst v63  }
0xe1: {  	_ = 	snop  }
0xe2: {  	[tilespmem:s22], [sflag:$0x1] =	stream.indirect.gather [hbm4b:s4+s8], $0x1, s21, s8, $0xb8;
	[tilespmem:$0x3360] =	vst v63  }
0xe3: {  	_ = 	snop  }
0xe4: {  	[tilespmem:s24], [sflag:$0x1] =	stream.indirect.gather [hbm4b:s4+s8], $0x1, s23, s8, $0xb8;
	[tilespmem:$0x3360] =	vst v63  }
0xe5: {  	_ =	swait.ge [sflag:s25], $0x80  }
0xe6: {  	[sflag:s25] =	ssyncset.done $0x0  }
0xe7: {  	[sflag:s25] =	ssyncadd.s32 $0xFFFFFF80  }
0xe8: {  	_ =	swait.ge [sflag:s25], $0x80  }
0xe9: {  	[sflag:s25] =	ssyncset.done $0x0  }
0xea: {  	[sflag:s25] =	ssyncadd.s32 $0xFFFFFF80  }
0xeb: {  	_ =	swait.ge [sflag:s25], $0x80  }
0xec: {  	[sflag:s25] =	ssyncset.done $0x0  }
0xed: {  	[sflag:s25] =	ssyncadd.s32 $0xFFFFFF80  }
0xee: {  	_ =	swait.ge [sflag:s25], $0x80  }
0xef: {  	[sflag:s25] =	ssyncset.done $0x0  }
0xf0: {  	[sflag:s25] =	ssyncadd.s32 $0xFFFFFF80  }
0xf1: {  	_ =	swait.ge [sflag:s25], $0x80  }
0xf2: {  	[sflag:s25] =	ssyncset.done $0x0  }
0xf3: {  	[sflag:s25] =	ssyncadd.s32 $0xFFFFFF80  }
0xf4: {  	_ =	swait.ge [sflag:s25], $0x80  }
0xf5: {  	[sflag:s25] =	ssyncset.done $0x0  }
0xf6: {  	[sflag:s25] =	ssyncadd.s32 $0xFFFFFF80  }
0xf7: {  	_ =	swait.ge [sflag:s25], $0x80  }
0xf8: {  	[sflag:s25] =	ssyncset.done $0x0  }
0xf9: {  	[sflag:s25] =	ssyncadd.s32 $0xFFFFFF80  }
0xfa: {  	_ =	swait.ge [sflag:s25], $0x80  }
0xfb: {  	[sflag:s25] =	ssyncset.done $0x0  }
0xfc: {  	[sflag:s25] =	ssyncadd.s32 $0xFFFFFF80  }
0xfd: {  	_ =	swait.ge [sflag:s25], $0x80  }
0xfe: {  	[sflag:s25] =	ssyncset.done $0x0  }
0xff: {  	[sflag:s25] =	ssyncadd.s32 $0xFFFFFF80  }
0x100: {  	_ =	swait.ge [sflag:s25], $0x80  }
0x101: {  	[sflag:s25] =	ssyncset.done $0x0  }
0x102: {  	[sflag:s25] =	ssyncadd.s32 $0xFFFFFF80  }
0x103: {  	_ =	swait.ge [sflag:s25], $0x80  }
0x104: {  	[sflag:s25] =	ssyncset.done $0x0  }
0x105: {  	[sflag:s25] =	ssyncadd.s32 $0xFFFFFF80  }
0x106: {  	_ =	swait.ge [sflag:s25], $0x80  }
0x107: {  	[sflag:s25] =	ssyncset.done $0x0  }
0x108: {  	[sflag:s25] =	ssyncadd.s32 $0xFFFFFF80  }
0x109: {  	_ =	swait.ge [sflag:s25], $0x80  }
0x10a: {  	[sflag:s25] =	ssyncset.done $0x0  }
0x10b: {  	[sflag:s25] =	ssyncadd.s32 $0xFFFFFF80  }
0x10c: {  	_ =	swait.ge [sflag:s25], $0x80  }
0x10d: {  	[sflag:s25] =	ssyncset.done $0x0  }
0x10e: {  	[sflag:s25] =	ssyncadd.s32 $0xFFFFFF80  }
0x10f: {  	_ =	swait.ge [sflag:s25], $0x80  }
0x110: {  	[sflag:s25] =	ssyncset.done $0x0  }
0x111: {  	[sflag:s25] =	ssyncadd.s32 $0xFFFFFF80  }
0x112: {  	_ =	swait.ge [sflag:s25], $0x80  }
0x113: {  	[sflag:s25] =	ssyncset.done $0x0  }
0x114: {  	[sflag:s25] =	ssyncadd.s32 $0xFFFFFF80  }
0x115: {  	_ =	swait.ge [sflag:s25], $0x80  }
0x116: {  	[sflag:s25] =	ssyncset.done $0x0  }
0x117: {  	[sflag:s25] =	ssyncadd.s32 $0xFFFFFF80  }
0x118: {  	_ =	swait.ge [sflag:s25], $0x80  }
0x119: {  	[sflag:s25] =	ssyncset.done $0x0  }
0x11a: {  	[sflag:s25] =	ssyncadd.s32 $0xFFFFFF80  }
0x11b: {  	_ =	swait.ge [sflag:s25], $0x80  }
0x11c: {  	[sflag:s25] =	ssyncset.done $0x0  }
0x11d: {  	[sflag:s25] =	ssyncadd.s32 $0xFFFFFF80  }
0x11e: {  	_ =	swait.ge [sflag:s25], $0x80  }
0x11f: {  	[sflag:s25] =	ssyncset.done $0x0  }
0x120: {  	[sflag:s25] =	ssyncadd.s32 $0xFFFFFF80  }
0x121: {  	_ =	swait.ge [sflag:s25], $0x80  }
0x122: {  	[sflag:s25] =	ssyncset.done $0x0  }
0x123: {  	[sflag:s25] =	ssyncadd.s32 $0xFFFFFF80  }
0x124: {  	_ =	swait.ge [sflag:s25], $0x80  }
0x125: {  	[sflag:s25] =	ssyncset.done $0x0  }
0x126: {  	[sflag:s25] =	ssyncadd.s32 $0xFFFFFF80  }
0x127: {  	_ =	swait.ge [sflag:s25], $0x80  }
0x128: {  	[sflag:s25] =	ssyncset.done $0x0  }
0x129: {  	[sflag:s25] =	ssyncadd.s32 $0xFFFFFF80  }
0x12a: {  	_ =	swait.ge [sflag:s25], $0x80  }
0x12b: {  	[sflag:s25] =	ssyncset.done $0x0  }
0x12c: {  	[sflag:s25] =	ssyncadd.s32 $0xFFFFFF80  }
0x12d: {  	_ =	swait.ge [sflag:s25], $0x80  }
0x12e: {  	[sflag:s25] =	ssyncset.done $0x0  }
0x12f: {  	[sflag:s25] =	ssyncadd.s32 $0xFFFFFF80  }
0x130: {  	_ =	swait.ge [sflag:s25], $0x80  }
0x131: {  	[sflag:s25] =	ssyncset.done $0x0  }
0x132: {  	[sflag:s25] =	ssyncadd.s32 $0xFFFFFF80  }
0x133: {  	_ =	swait.ge [sflag:s25], $0x80  }
0x134: {  	[sflag:s25] =	ssyncset.done $0x0  }
0x135: {  	[sflag:s25] =	ssyncadd.s32 $0xFFFFFF80  }
0x136: {  	_ =	swait.ge [sflag:s25], $0x80  }
0x137: {  	[sflag:s25] =	ssyncset.done $0x0  }
0x138: {  	[sflag:s25] =	ssyncadd.s32 $0xFFFFFF80  }
0x139: {  	_ =	swait.ge [sflag:s25], $0x80  }
0x13a: {  	[sflag:s25] =	ssyncset.done $0x0  }
0x13b: {  	[sflag:s25] =	ssyncadd.s32 $0xFFFFFF80  }
0x13c: {  	_ =	swait.ge [sflag:s25], $0x80  }
0x13d: {  	[sflag:s25] =	ssyncset.done $0x0  }
0x13e: {  	[sflag:s25] =	ssyncadd.s32 $0xFFFFFF80  }
0x13f: {  	_ =	swait.ge [sflag:s25], $0x80  }
0x140: {  	[sflag:s25] =	ssyncset.done $0x0  }
0x141: {  	[sflag:s25] =	ssyncadd.s32 $0xFFFFFF80  }
0x142: {  	_ =	swait.ge [sflag:s25], $0x80  }
0x143: {  	[sflag:s25] =	ssyncset.done $0x0  }
0x144: {  	[sflag:s25] =	ssyncadd.s32 $0xFFFFFF80  }
0x145: {  	_ =	swait.ge [sflag:s25], $0x80  }
0x146: {  	[sflag:s25] =	ssyncset.done $0x0  }
0x147: {  	[sflag:s25] =	ssyncadd.s32 $0xFFFFFF80  }
0x148: {  	_ =	swait.ge [sflag:s25], $0x80  }
0x149: {  	[sflag:s25] =	ssyncset.done $0x0  }
0x14a: {  	[sflag:s25] =	ssyncadd.s32 $0xFFFFFF80  }
0x14b: {  	_ =	swait.ge [sflag:s25], $0x80  }
0x14c: {  	[sflag:s25] =	ssyncset.done $0x0  }
0x14d: {  	[sflag:s25] =	ssyncadd.s32 $0xFFFFFF80  }
0x14e: {  	_ =	swait.ge [sflag:s25], $0x80  }
0x14f: {  	[sflag:s25] =	ssyncset.done $0x0  }
0x150: {  	[sflag:s25] =	ssyncadd.s32 $0xFFFFFF80  }
0x151: {  	_ =	swait.ge [sflag:s25], $0x80  }
0x152: {  	[sflag:s25] =	ssyncset.done $0x0  }
0x153: {  	[sflag:s25] =	ssyncadd.s32 $0xFFFFFF80  }
0x154: {  	_ =	swait.ge [sflag:s25], $0x80  }
0x155: {  	[sflag:s25] =	ssyncset.done $0x0  }
0x156: {  	[sflag:s25] =	ssyncadd.s32 $0xFFFFFF80  }
0x157: {  	_ =	swait.ge [sflag:s25], $0x80  }
0x158: {  	[sflag:s25] =	ssyncset.done $0x0  }
0x159: {  	[sflag:s25] =	ssyncadd.s32 $0xFFFFFF80  }
0x15a: {  	_ =	swait.ge [sflag:s25], $0x80  }
0x15b: {  	[sflag:s25] =	ssyncset.done $0x0  }
0x15c: {  	[sflag:s25] =	ssyncadd.s32 $0xFFFFFF80  }
0x15d: {  	_ =	swait.ge [sflag:s25], $0x80  }
0x15e: {  	[sflag:s25] =	ssyncset.done $0x0  }
0x15f: {  	[sflag:s25] =	ssyncadd.s32 $0xFFFFFF80  }
0x160: {  	_ =	swait.ge [sflag:s25], $0x80  }
0x161: {  	[sflag:s25] =	ssyncset.done $0x0  }
0x162: {  	[sflag:s25] =	ssyncadd.s32 $0xFFFFFF80  }
0x163: {  	_ =	swait.ge [sflag:s25], $0x80  }
0x164: {  	[sflag:s25] =	ssyncset.done $0x0  }
0x165: {  	[sflag:s25] =	ssyncadd.s32 $0xFFFFFF80  }
0x166: {  	_ =	swait.ge [sflag:s25], $0x80  }
0x167: {  	[sflag:s25] =	ssyncset.done $0x0  }
0x168: {  	[sflag:s25] =	ssyncadd.s32 $0xFFFFFF80  }
0x169: {  	_ =	swait.ge [sflag:s25], $0x80  }
0x16a: {  	[sflag:s25] =	ssyncset.done $0x0  }
0x16b: {  	[sflag:s25] =	ssyncadd.s32 $0xFFFFFF80  }
0x16c: {  	_ =	swait.ge [sflag:s25], $0x80  }
0x16d: {  	[sflag:s25] =	ssyncset.done $0x0  }
0x16e: {  	[sflag:s25] =	ssyncadd.s32 $0xFFFFFF80  }
0x16f: {  	_ =	swait.ge [sflag:s25], $0x80  }
0x170: {  	[sflag:s25] =	ssyncset.done $0x0  }
0x171: {  	[sflag:s25] =	ssyncadd.s32 $0xFFFFFF80  }
0x172: {  	_ =	swait.ge [sflag:s25], $0x80  }
0x173: {  	s29 =	simm.s32 @!p0 $0x3000;
	[sflag:s25] =	ssyncset.done $0x0  }
0x174: {  	s28 =	simm.s32 @!p0 $0x0;
	s26 =	rddreg [dreg:$0x4];
	[sflag:s25] =	ssyncadd.s32 $0xFFFFFF80  }
0x175: {  	[tilespmem:s29], [sflag:$0x2] =	stream.linear.gather @!p0 [hbm4b:s26+s28], $0x100, $0x38;
	[tilespmem:$0x3360] =	vst v63  }
0x176: {  	s26 =	simm.s32 @!p0 $0x2  }
0x177: {  	_ =	swait.ge @!p0 [sflag:s26], $0x100  }
0x178: {  	[sflag:s26] =	ssyncset.done @!p0 $0x0  }
0x179: {  	s31 =	simm.s32 @!p0 $0x3100;
	s30 =	rddreg [dreg:$0x5];
	[sflag:s26] =	ssyncadd.s32 @!p0 $0xFFFFFF00  }
0x17a: {  	[tilespmem:s31], [sflag:$0x2] =	stream.linear.gather @!p0 [hbm4b:s30+s28], $0x200, $0x38;
	[tilespmem:$0x3360] =	vst v63  }
0x17b: {  	_ =	swait.ge @!p0 [sflag:s26], $0x200  }
0x17c: {  	[sflag:s26] =	ssyncset.done @!p0 $0x0  }
0x17d: {  	s0 =	simm.s32 @!p0 $0x3300;
	s30 =	rddreg [dreg:$0x6];
	[sflag:s26] =	ssyncadd.s32 @!p0 $0xFFFFFE00  }
0x17e: {  	[tilespmem:s0], [sflag:$0x2] =	stream.linear.gather @!p0 [hbm4b:s30+s28], $0x60, $0x38;
	[tilespmem:$0x3360] =	vst v63  }
0x17f: {  	_ =	swait.ge @!p0 [sflag:s26], $0x60  }
0x180: {  	[sflag:s26] =	ssyncset.done @!p0 $0x0  }
0x181: {  	[sflag:s26] =	ssyncadd.s32 @!p0 $0xFFFFFFA0  }
0x182: {  	v0 =	vld @!p0 [tilespmem:$0x3310]  }
0x183: {  	v1 =	vld @!p0 [tilespmem:$0x3300]  }
0x184: {  	v2 =	vld @!p0 [tilespmem:$0x3320];
	_ =	sdelay $0x4  }
0x185: {  	v3 =	vand.u32 @!p0 $0xFFFFFFF8, v2;
	v0 =	vshll.u32 @!p0 v0, $0x7  }
0x186: {  	v2 =	vand.u32 @!p0 $0x7, v2;
	v0 =	vadd.s32 @!p0 v0, v3  }
0x187: {  	v0 =	vor.u32 @!p0 v2, v0;
	v1 =	vld.idx.msk @!p0 [tilespmem:v1+s29+$0x0], $0xffff;
	_ =	sdelay $0x3  }
0x188: {  	s0 =	simm.s32 @!p0 $0x1800  }
0x189: {  	[tilespmem:v0+s0+$0x0] =	vst.idx.msk @!p0 $0xf, v1  }
0x18a: {  	v0 =	vld @!p0 [tilespmem:$0x3340]  }
0x18b: {  	v1 =	vld @!p0 [tilespmem:$0x3330]  }
0x18c: {  	v2 =	vld @!p0 [tilespmem:$0x3350];
	_ =	sdelay $0x4  }
0x18d: {  	v3 =	vand.u32 @!p0 $0xFFFFFFF8, v2;
	v0 =	vshll.u32 @!p0 v0, $0x7  }
0x18e: {  	v2 =	vand.u32 @!p0 $0x7, v2;
	v0 =	vadd.s32 @!p0 v0, v3  }
0x18f: {  	v0 =	vor.u32 @!p0 v2, v0;
	v1 =	vld.idx.msk @!p0 [tilespmem:v1+s31+$0x0], $0xffff;
	_ =	sdelay $0x3  }
0x190: {  	s26 =	simm.s32 @!p0 $0x2000  }
0x191: {  	s30 =	rddreg [dreg:$0x9];
	[tilespmem:v0+s26+$0x0] =	vst.idx.msk @!p0 $0xff, v1  }
0x192: {  	[hbm4b:s30+s2] =	stream.linear.scatter [tilespmem:s9], [sflag:$0x2], $0x800, $0x38;
	[tilespmem:$0x3360] =	vst v63  }
0x193: {  	s5 =	sadd.s32 $0xFFFFFFFF, s5;
	_ =	swait.ge [sflag:s6], $0x800  }
0x194: {  	p1 =	sne.s32 s5, $0x0;
	[sflag:s6] =	ssyncset.done $0x0  }
.Ltmp0:
0x195: {  	s31 =	rddreg [dreg:$0xa];
	[sflag:s6] =	ssyncadd.s32 $0xFFFFF800;
	(pc) =	sbr.rel @p1 .LBB2_1-.Ltmp0, $4  }
0x196: {  	[hbm4b:s31+s2] =	stream.linear.scatter [tilespmem:s10], [sflag:$0x2], $0x1000, $0x38;
	[tilespmem:$0x3360] =	vst v63  }
0x197: {  	_ =	swait.ge [sflag:s6], $0x1000  }
0x198: {  	[sflag:s6] =	ssyncset.done $0x0  }
0x199: {  	[sflag:s6] =	ssyncadd.s32 $0xFFFFF000  }
0x19a: {  	_ =	sfence.sel $0x180000  }
0x19b: {  	[bflag:$0x0] =	sbarrier.arrive $0xFFFF  }
0x19c: {  	_ =	strace $0x90000047  }
0x19d: {  	[bflag:$0x2] =	sbarrier.arrive $0xFFFF  }
0x19e: {  	p0 =	sne.s32 s1, $0x0;
	s0 =	rddreg [dreg:$0x3]  }
0x19f: {  	s0 =	sadd.s32 @!p0 $0x100000, s0  }
0x1a0: {  	[sflag:s0] =	ssyncadd.tile.s32 @!p0 $0x1;
	_ =	shalt  }
.Lfunc_end2:
_tile_overlayer_lowered:
.L_overlay_start_2:
0x1a1: {  	(tag) =	ssettag $0x2  }
0x1a2: {  	s0 =	rddreg [dreg:$0x0];
	s2 =	stileid.u32  }
0x1a3: {  	s1 =	rddreg [dreg:$0x1];
	p0 =	sne.s32 s2, $0x0  }
0x1a4: {  	s3 =	rddreg [dreg:$0x2];
	[bflag:$0x3] =	sbarrier.arrive $0xFFFF;
	s2 =	simm.s32 @!p0 $0x1C02  }
0x1a5: {  	[timem:s3], [sflag:s2] =	dma.local @!p0 [hbm:s0], s1  }
0x1a6: {  	s0 =	simm.s32 @!p0 $0x2  }
0x1a7: {  	_ =	swait.ge @!p0 [sflag:s0], s1  }
0x1a8: {  	s1 =	ssub.s32 @!p0 $0x0, s1;
	[sflag:s0] =	ssyncset.done @!p0 $0x0  }
0x1a9: {  	[sflag:s0] =	ssyncadd.s32 @!p0 s1  }
0x1aa: {  	[bflag:$0x3] =	sbarrier.arrive $0xFFFF  }
0x1ab: {  	_ =	shalt  }

</sc_bundles>
